<compile_context>
chip_gen: v7x
topology: tpu7x:2x2x1
jax: 0.10.2.dev20260603
libtpu: 0.0.44.dev20260713+nightly
codegen_flags: <defaults>
</compile_context>

<pallas_src>
import numpy as np
import jax
import jax.numpy as jnp
from jax import lax
from jax.experimental import pallas as pl
from jax.experimental.pallas import tpu as pltpu
from jax.experimental.pallas import tpu_sc as plsc

N_NODES = 10000
N_EDGES = 160000
DIM_IN = 32
DIM_OUT = 32
DIM_HID = 64
BOND_FDIM = 16

NC = 2
NS = 16
NW = NC * NS
CHUNK = 128
PACK = 4
LANES = PACK * DIM_IN
N_CHUNKS = N_EDGES // CHUNK
STEADY = N_CHUNKS // NW
EXTRA_W = N_CHUNKS - STEADY * NW

_SC_MESH = dict(core_axis_name="c", subcore_axis_name="s")
_SC_PARAMS = pltpu.CompilerParams(use_tc_tiling_on_sc=False)


def _load_all_idx(src_hbm, idx_all, wid, sem):
    def fire(k, carry):
        off = (wid + k * NW) * CHUNK
        pltpu.make_async_copy(src_hbm.at[pl.ds(off, CHUNK)],
                              idx_all.at[k], sem).start()
        return carry

    lax.fori_loop(0, STEADY, fire, 0)

    def drain(k, carry):
        pltpu.make_async_copy(src_hbm.at[pl.ds(0, CHUNK)],
                              idx_all.at[k], sem).wait()
        return carry

    lax.fori_loop(0, STEADY, drain, 0)


def _gather_body(x_hbm, src_hbm, out_hbm, idx_all, rows0, rows1, sem,
                 g0, g1):
    c = lax.axis_index("c")
    s = lax.axis_index("s")
    wid = s * NC + c
    _load_all_idx(src_hbm, idx_all, wid, sem)
    rows = (rows0, rows1)
    gsem = (g0, g1)

    def start(k, b):
        pltpu.make_async_copy(x_hbm.at[idx_all.at[k]], rows[b], gsem[b]).start()

    def finish(k, b):
        pltpu.make_async_copy(x_hbm.at[idx_all.at[k]], rows[b], gsem[b]).wait()
        off = (wid + k * NW) * CHUNK
        pltpu.sync_copy(rows[b], out_hbm.at[pl.ds(off, CHUNK)])

    start(0, 0)

    def body(kp, carry):
        k = 2 * kp
        start(k + 1, 1)
        finish(k, 0)
        start(k + 2, 0)
        finish(k + 1, 1)
        return carry

    lax.fori_loop(0, (STEADY - 1) // 2, body, 0)
    finish(STEADY - 1, 0)

    @pl.when(wid < EXTRA_W)
    def _():
        pltpu.sync_copy(src_hbm.at[pl.ds((wid + STEADY * NW) * CHUNK, CHUNK)],
                        idx_all.at[0])
        pltpu.async_copy(x_hbm.at[idx_all.at[0]], rows0, g0).wait()
        pltpu.sync_copy(rows0, out_hbm.at[pl.ds((wid + STEADY * NW) * CHUNK, CHUNK)])


def _sc_gather(x, src):
    kern = pl.kernel(
        _gather_body,
        out_type=jax.ShapeDtypeStruct((N_EDGES, DIM_IN), jnp.float32),
        mesh=plsc.VectorSubcoreMesh(**_SC_MESH),
        scratch_types=[
            pltpu.VMEM((STEADY, CHUNK), jnp.int32),
            pltpu.VMEM((CHUNK, DIM_IN), jnp.float32),
            pltpu.VMEM((CHUNK, DIM_IN), jnp.float32),
            pltpu.SemaphoreType.DMA,
            pltpu.SemaphoreType.DMA,
            pltpu.SemaphoreType.DMA,
        ],
        compiler_params=_SC_PARAMS,
    )
    return kern(x, src)


INIT_ROWS = (N_NODES // NS) // 8 * 8
INIT_REM = N_NODES - INIT_ROWS * NS


def _scatter_body(msg_hbm, dst_hbm, zeros_hbm, out_hbm, idx_all,
                  rows0, rows1, acc, sem, g0, g1):
    c = lax.axis_index("c")
    s = lax.axis_index("s")
    wid = s * NC + c
    row0 = s * INIT_ROWS

    pltpu.sync_copy(zeros_hbm.at[pl.ds(0, INIT_ROWS)], acc.at[pl.ds(row0, INIT_ROWS)])

    @pl.when(s == 0)
    def _():
        pltpu.sync_copy(zeros_hbm.at[pl.ds(0, INIT_REM)],
                        acc.at[pl.ds(NS * INIT_ROWS, INIT_REM)])

    _load_all_idx(dst_hbm, idx_all, wid, sem)
    plsc.subcore_barrier()
    rows = (rows0, rows1)
    gsem = (g0, g1)

    def start(k, b):
        off = (wid + k * NW) * CHUNK
        pltpu.make_async_copy(msg_hbm.at[pl.ds(off, CHUNK)],
                              rows[b], gsem[b]).start()

    def finish(k, b):
        off = (wid + k * NW) * CHUNK
        pltpu.make_async_copy(msg_hbm.at[pl.ds(off, CHUNK)],
                              rows[b], gsem[b]).wait()
        pltpu.sync_copy(rows[b], acc.at[idx_all.at[k]], add=True)

    start(0, 0)

    def body(kp, carry):
        k = 2 * kp
        start(k + 1, 1)
        finish(k, 0)
        start(k + 2, 0)
        finish(k + 1, 1)
        return carry

    lax.fori_loop(0, (STEADY - 1) // 2, body, 0)
    finish(STEADY - 1, 0)

    @pl.when(wid < EXTRA_W)
    def _():
        pltpu.sync_copy(dst_hbm.at[pl.ds((wid + STEADY * NW) * CHUNK, CHUNK)],
                        idx_all.at[0])
        pltpu.sync_copy(msg_hbm.at[pl.ds((wid + STEADY * NW) * CHUNK, CHUNK)], rows0)
        pltpu.sync_copy(rows0, acc.at[idx_all.at[0]], add=True)

    plsc.subcore_barrier()

    pltpu.sync_copy(acc.at[pl.ds(row0, INIT_ROWS)],
                    out_hbm.at[pl.ds(c * N_NODES + row0, INIT_ROWS)])

    @pl.when(s == 0)
    def _():
        pltpu.sync_copy(acc.at[pl.ds(NS * INIT_ROWS, INIT_REM)],
                        out_hbm.at[pl.ds(c * N_NODES + NS * INIT_ROWS, INIT_REM)])


def _sc_scatter(msg, dst):
    zeros = jnp.zeros((INIT_ROWS, DIM_OUT), jnp.float32)
    kern = pl.kernel(
        _scatter_body,
        out_type=jax.ShapeDtypeStruct((NC * N_NODES, DIM_OUT), jnp.float32),
        mesh=plsc.VectorSubcoreMesh(**_SC_MESH),
        scratch_types=[
            pltpu.VMEM((STEADY, CHUNK), jnp.int32),
            pltpu.VMEM((CHUNK, DIM_OUT), jnp.float32),
            pltpu.VMEM((CHUNK, DIM_OUT), jnp.float32),
            pltpu.VMEM_SHARED((N_NODES, DIM_OUT), jnp.float32),
            pltpu.SemaphoreType.DMA,
            pltpu.SemaphoreType.DMA,
            pltpu.SemaphoreType.DMA,
        ],
        compiler_params=_SC_PARAMS,
    )
    return kern(msg, dst, zeros)


TE = 4000
TR = TE // PACK
N_ROWS = N_EDGES // PACK
HID4 = PACK * DIM_HID
UW = DIM_IN * DIM_OUT
UW4 = PACK * UW


def _msg_body(ea_ref, xj_ref, w1_ref, b1_ref, w2_ref, b2_ref, rep_ref, o_ref):
    h = jnp.dot(ea_ref[...], w1_ref[...], preferred_element_type=jnp.float32)
    h = jnp.maximum(h + b1_ref[...], 0.0)
    u = jnp.dot(h.astype(jnp.bfloat16), w2_ref[...],
                preferred_element_type=jnp.float32)
    u = u + b2_ref[...]
    xb = jnp.dot(xj_ref[...].astype(jnp.bfloat16), rep_ref[...],
                 preferred_element_type=jnp.float32)
    p = u * xb
    blocks = []
    for q in range(PACK):
        b = p[:, q * UW:(q + 1) * UW]
        w = UW // 2
        while w >= DIM_OUT:
            b = b[:, :w] + b[:, w:]
            w //= 2
        blocks.append(b)
    o_ref[...] = jnp.concatenate(blocks, axis=1)


def _tc_messages(ea4, xj4, W1, b1, W2, b2):
    eye = jnp.eye(PACK, dtype=jnp.float32)
    w1bd = jnp.kron(eye, W1)
    w2bd = jnp.kron(eye, W2).astype(jnp.bfloat16)
    b1_4 = jnp.tile(b1, PACK).reshape(1, HID4)
    b2_4 = jnp.tile(b2, PACK).reshape(1, UW4)
    rep = np.kron(np.eye(PACK, dtype=np.float32),
                  np.kron(np.eye(DIM_IN, dtype=np.float32),
                          np.ones((1, DIM_OUT), dtype=np.float32)))
    rep = jnp.asarray(rep, dtype=jnp.bfloat16)
    grid = (N_ROWS // TR,)
    return pl.pallas_call(
        _msg_body,
        grid=grid,
        in_specs=[
            pl.BlockSpec((TR, PACK * BOND_FDIM), lambda i: (i, 0)),
            pl.BlockSpec((TR, LANES), lambda i: (i, 0)),
            pl.BlockSpec((DIM_HID, HID4), lambda i: (0, 0)),
            pl.BlockSpec((1, HID4), lambda i: (0, 0)),
            pl.BlockSpec((HID4, UW4), lambda i: (0, 0)),
            pl.BlockSpec((1, UW4), lambda i: (0, 0)),
            pl.BlockSpec((LANES, UW4), lambda i: (0, 0)),
        ],
        out_specs=pl.BlockSpec((TR, LANES), lambda i: (i, 0)),
        out_shape=jax.ShapeDtypeStruct((N_ROWS, LANES), jnp.float32),
    )(ea4, xj4, w1bd, b1_4, w2bd, b2_4, rep)


TN = 1000


def _fin_body(a0_ref, a1_ref, x_ref, wr_ref, br_ref, o_ref):
    r = jnp.dot(x_ref[...], wr_ref[...], preferred_element_type=jnp.float32)
    agg = a0_ref[...] + a1_ref[...]
    o_ref[...] = jnp.maximum(agg + r + br_ref[...], 0.0)


def _tc_finalize(parts, x, W_root, b_root):
    grid = (N_NODES // TN,)
    return pl.pallas_call(
        _fin_body,
        grid=grid,
        in_specs=[
            pl.BlockSpec((TN, DIM_OUT), lambda i: (i, 0)),
            pl.BlockSpec((TN, DIM_OUT), lambda i: (i + N_NODES // TN, 0)),
            pl.BlockSpec((TN, DIM_IN), lambda i: (i, 0)),
            pl.BlockSpec((DIM_IN, DIM_OUT), lambda i: (0, 0)),
            pl.BlockSpec((1, DIM_OUT), lambda i: (0, 0)),
        ],
        out_specs=pl.BlockSpec((TN, DIM_OUT), lambda i: (i, 0)),
        out_shape=jax.ShapeDtypeStruct((N_NODES, DIM_OUT), jnp.float32),
    )(parts, parts, x, W_root, b_root.reshape(1, -1))


def kernel(x, edge_index, edge_attr, W1, b1, W2, b2, W_root, b_root):
    src = edge_index[0].astype(jnp.int32)
    dst = edge_index[1].astype(jnp.int32)
    x_j = _sc_gather(x, src)
    xj4 = jnp.reshape(x_j, (N_ROWS, LANES))
    ea4 = jnp.reshape(edge_attr, (N_ROWS, PACK * BOND_FDIM))
    msg4 = _tc_messages(ea4, xj4, W1, b1, W2, b2)
    msg = jnp.reshape(msg4, (N_EDGES, DIM_OUT))
    parts = _sc_scatter(msg, dst)
    return _tc_finalize(parts, x, W_root, b_root)

# --- scband reference (transcript-rebuilt; emitter-appended) ---
"""Pipeline reference for scband-gnnlayer-37228776522275 (READ-ONLY COPY).

The authoritative reference and input builder live on the scoring server;
editing this copy changes nothing except your own understanding.
"""

import jax, jax.numpy as jnp
import numpy as np

N_NODES = 10000
N_EDGES = 160000
DIM_IN = 32
DIM_OUT = 32
DIM_HID_EDGE = 64
BOND_FDIM = 16


def setup_inputs(seed: int = 0) -> dict:
    key = jax.random.key(seed)
    ks = [jax.random.fold_in(key, i) for i in range(10)]
    x = jax.random.normal(ks[0], (N_NODES, DIM_IN), dtype=jnp.float32)
    edge_index = jax.random.randint(ks[1], (2, N_EDGES), 0, N_NODES, dtype=jnp.int64)
    edge_attr = jax.random.uniform(ks[2], (N_EDGES, BOND_FDIM), dtype=jnp.float32)
    # edge-MLP params: Linear(BOND_FDIM, DIM_HID_EDGE) -> ReLU -> Linear(DIM_HID_EDGE, DIM_IN*DIM_OUT)
    W1 = jax.random.normal(ks[3], (BOND_FDIM, DIM_HID_EDGE), dtype=jnp.float32) * (1.0 / np.sqrt(BOND_FDIM))
    b1 = jnp.zeros((DIM_HID_EDGE,), dtype=jnp.float32)
    W2 = jax.random.normal(ks[4], (DIM_HID_EDGE, DIM_IN * DIM_OUT), dtype=jnp.float32) * (1.0 / np.sqrt(DIM_HID_EDGE))
    b2 = jnp.zeros((DIM_IN * DIM_OUT,), dtype=jnp.float32)
    # NNConv root weight + bias
    W_root = jax.random.normal(ks[5], (DIM_IN, DIM_OUT), dtype=jnp.float32) * (1.0 / np.sqrt(DIM_IN))
    b_root = jnp.zeros((DIM_OUT,), dtype=jnp.float32)
    return {"x": x, "edge_index": edge_index, "edge_attr": edge_attr,
            "W1": W1, "b1": b1, "W2": W2, "b2": b2,
            "W_root": W_root, "b_root": b_root}


def reference(x, edge_index, edge_attr, W1, b1, W2, b2, W_root, b_root):
    # edge-conditioned MLP producing per-edge [DIM_IN, DIM_OUT] weight matrices
    h = jax.nn.relu(edge_attr @ W1 + b1)
    w = (h @ W2 + b2).reshape(-1, DIM_IN, DIM_OUT)
    src = edge_index[0]
    dst = edge_index[1]
    x_j = jnp.take(x, src, axis=0)                      # gather source features [E, DIM_IN]
    msg = jnp.einsum('ei,eio->eo', x_j, w)              # per-edge message [E, DIM_OUT]
    agg = jax.ops.segment_sum(msg, dst, num_segments=x.shape[0])  # scatter-add to dst nodes
    out = agg + x @ W_root + b_root                     # NNConv root weight + bias
    return jax.nn.relu(out)

if __name__ == "__main__":
    import jax
    _d = setup_inputs()
    print(jax.jit(kernel)(*tuple(_d.values())))

</pallas_src>

<mosaic_0001>
#map = affine_map<(d0, d1) -> (0, 0)>
#map1 = affine_map<(d0, d1) -> (0)>
module attributes {stable_mosaic.version = 14 : i64} {
  func.func @_gather_body(%arg0: i32, %arg1: i32, %arg2: memref<10000x32xf32, #tpu.memory_space<hbm>>, %arg3: memref<160000xi32, #tpu.memory_space<hbm>>, %arg4: memref<160000x32xf32, #tpu.memory_space<hbm>>, %arg5: memref<39x128xi32, #tpu.memory_space<vmem>>, %arg6: memref<128x32xf32, #tpu.memory_space<vmem>>, %arg7: memref<128x32xf32, #tpu.memory_space<vmem>>, %arg8: memref<!tpu.dma_semaphore, #tpu.memory_space<semaphore_mem>>, %arg9: memref<!tpu.dma_semaphore, #tpu.memory_space<semaphore_mem>>, %arg10: memref<!tpu.dma_semaphore, #tpu.memory_space<semaphore_mem>>) attributes {dimension_semantics = [#tpu.dimension_semantics<core_parallel>, #tpu.dimension_semantics<subcore_parallel>], iteration_bounds = array<i64: 2, 16>, scalar_prefetch = 0 : i64, scratch_operands = 6 : i64, tpu.core_type = #tpu.core_type<sc_vector_subcore>, window_params = [{transform_indices = #map}, {transform_indices = #map1}, {transform_indices = #map}]} {
    %mul3A = arith.constant 2 : i32
    %mul3A_0 = arith.muli %arg1, %mul3A : i32
    %add3A = arith.addi %mul3A_0, %arg0 : i32
    %scan3A = arith.constant 0 : i32
    %scan3A_1 = arith.constant 0 : i32
    %scan3A_2 = arith.constant 39 : i32
    %scan3A_3 = arith.addi %scan3A_1, %scan3A_2 : i32
    %scan3A_4 = arith.constant 1 : i32
    scf.for %scan3A_36 = %scan3A_1 to %scan3A_3 step %scan3A_4  : i32 {
      %mul3A_37 = arith.constant 32 : i32
      %mul3A_38 = arith.muli %scan3A_36, %mul3A_37 : i32
      %add3A_39 = arith.addi %add3A, %mul3A_38 : i32
      %mul3A_40 = arith.constant 128 : i32
      %mul3A_41 = arith.muli %add3A_39, %mul3A_40 : i32
      %dma_start3A_42 = arith.constant 0 : i32
      %dma_start3A_43 = tpu.memref_slice %arg5[%scan3A_36, %dma_start3A_42] : memref<39x128xi32, #tpu.memory_space<vmem>> -> memref<1x128xi32, #tpu.memory_space<vmem>>
      %dma_start3A_44 = tpu.memref_squeeze %dma_start3A_43 : memref<1x128xi32, #tpu.memory_space<vmem>> -> memref<128xi32, #tpu.memory_space<vmem>>
      %dma_start3A_45 = tpu.memref_slice %arg3[%mul3A_41] : memref<160000xi32, #tpu.memory_space<hbm>> -> memref<128xi32, #tpu.memory_space<hbm>>
      %dma_start3A_46 = arith.constant 0 : i32
      %dma_start3A_47 = tpu.memref_slice %arg5[%scan3A_36, %dma_start3A_46] : memref<39x128xi32, #tpu.memory_space<vmem>> -> memref<1x128xi32, #tpu.memory_space<vmem>>
      %dma_start3A_48 = tpu.memref_squeeze %dma_start3A_47 : memref<1x128xi32, #tpu.memory_space<vmem>> -> memref<128xi32, #tpu.memory_space<vmem>>
      %dma_start3A_49 = tpu.memref_slice %arg3[%mul3A_41] : memref<160000xi32, #tpu.memory_space<hbm>> -> memref<128xi32, #tpu.memory_space<hbm>>
      tpu.enqueue_dma source(%dma_start3A_49 : memref<128xi32, #tpu.memory_space<hbm>>) target(%dma_start3A_48 : memref<128xi32, #tpu.memory_space<vmem>>) target_semaphore(%arg8 : memref<!tpu.dma_semaphore, #tpu.memory_space<semaphore_mem>>)
    }
    %scan3A_5 = arith.constant 39 : i32
    %scan3A_6 = arith.constant 0 : i32
    %scan3A_7 = arith.constant 0 : i32
    %scan3A_8 = arith.constant 39 : i32
    %scan3A_9 = arith.addi %scan3A_7, %scan3A_8 : i32
    %scan3A_10 = arith.constant 1 : i32
    scf.for %scan3A_36 = %scan3A_7 to %scan3A_9 step %scan3A_10  : i32 {
      %dma_wait3A_37 = arith.constant 0 : i32
      %dma_wait3A_38 = tpu.memref_slice %arg5[%scan3A_36, %dma_wait3A_37] : memref<39x128xi32, #tpu.memory_space<vmem>> -> memref<1x128xi32, #tpu.memory_space<vmem>>
      %dma_wait3A_39 = tpu.memref_squeeze %dma_wait3A_38 : memref<1x128xi32, #tpu.memory_space<vmem>> -> memref<128xi32, #tpu.memory_space<vmem>>
      %dma_wait3A_40 = arith.constant 0 : i32
      %dma_wait3A_41 = tpu.memref_slice %arg3[%dma_wait3A_40] : memref<160000xi32, #tpu.memory_space<hbm>> -> memref<128xi32, #tpu.memory_space<hbm>>
      %dma_wait3A_42 = arith.constant 0 : i32
      %dma_wait3A_43 = tpu.memref_slice %arg5[%scan3A_36, %dma_wait3A_42] : memref<39x128xi32, #tpu.memory_space<vmem>> -> memref<1x128xi32, #tpu.memory_space<vmem>>
      %dma_wait3A_44 = tpu.memref_squeeze %dma_wait3A_43 : memref<1x128xi32, #tpu.memory_space<vmem>> -> memref<128xi32, #tpu.memory_space<vmem>>
      %dma_wait3A_45 = arith.constant 0 : i32
      %dma_wait3A_46 = tpu.memref_slice %arg3[%dma_wait3A_45] : memref<160000xi32, #tpu.memory_space<hbm>> -> memref<128xi32, #tpu.memory_space<hbm>>
      tpu.wait_dma2 semaphore(%arg8 : memref<!tpu.dma_semaphore, #tpu.memory_space<semaphore_mem>>) src(%dma_wait3A_46 : memref<128xi32, #tpu.memory_space<hbm>>) dst(%dma_wait3A_44 : memref<128xi32, #tpu.memory_space<vmem>>)
    }
    %scan3A_11 = arith.constant 39 : i32
    %dma_start3A = arith.constant 0 : i32
    %dma_start3A_12 = arith.constant 0 : i32
    %dma_start3A_13 = tpu.memref_slice %arg5[%dma_start3A, %dma_start3A_12] : memref<39x128xi32, #tpu.memory_space<vmem>> -> memref<1x128xi32, #tpu.memory_space<vmem>>
    %dma_start3A_14 = tpu.memref_squeeze %dma_start3A_13 : memref<1x128xi32, #tpu.memory_space<vmem>> -> memref<128xi32, #tpu.memory_space<vmem>>
    %dma_start3A_15 = arith.constant 0 : i32
    %dma_start3A_16 = arith.constant 0 : i32
    %dma_start3A_17 = tpu.memref_slice %arg2[%dma_start3A_15, %dma_start3A_16] : memref<10000x32xf32, #tpu.memory_space<hbm>> -> memref<10000x32xf32, #tpu.memory_space<hbm>>
    tpu.enqueue_indirect_dma source(%dma_start3A_17 : memref<10000x32xf32, #tpu.memory_space<hbm>>) target(%arg6 : memref<128x32xf32, #tpu.memory_space<vmem>>) offsets(%dma_start3A_14 : memref<128xi32, #tpu.memory_space<vmem>>) semaphore(%arg9 : memref<!tpu.dma_semaphore, #tpu.memory_space<semaphore_mem>>)
    %scan3A_18 = arith.constant 0 : i32
    %scan3A_19 = arith.constant 0 : i32
    %scan3A_20 = arith.constant 19 : i32
    %scan3A_21 = arith.addi %scan3A_19, %scan3A_20 : i32
    %scan3A_22 = arith.constant 1 : i32
    scf.for %scan3A_36 = %scan3A_19 to %scan3A_21 step %scan3A_22  : i32 {
      %mul3A_37 = arith.constant 2 : i32
      %mul3A_38 = arith.muli %mul3A_37, %scan3A_36 : i32
      %add3A_39 = arith.constant 1 : i32
      %add3A_40 = arith.addi %mul3A_38, %add3A_39 : i32
      %dma_start3A_41 = arith.constant 0 : i32
      %dma_start3A_42 = tpu.memref_slice %arg5[%add3A_40, %dma_start3A_41] : memref<39x128xi32, #tpu.memory_space<vmem>> -> memref<1x128xi32, #tpu.memory_space<vmem>>
      %dma_start3A_43 = tpu.memref_squeeze %dma_start3A_42 : memref<1x128xi32, #tpu.memory_space<vmem>> -> memref<128xi32, #tpu.memory_space<vmem>>
      %dma_start3A_44 = arith.constant 0 : i32
      %dma_start3A_45 = arith.constant 0 : i32
      %dma_start3A_46 = tpu.memref_slice %arg2[%dma_start3A_44, %dma_start3A_45] : memref<10000x32xf32, #tpu.memory_space<hbm>> -> memref<10000x32xf32, #tpu.memory_space<hbm>>
      tpu.enqueue_indirect_dma source(%dma_start3A_46 : memref<10000x32xf32, #tpu.memory_space<hbm>>) target(%arg7 : memref<128x32xf32, #tpu.memory_space<vmem>>) offsets(%dma_start3A_43 : memref<128xi32, #tpu.memory_space<vmem>>) semaphore(%arg10 : memref<!tpu.dma_semaphore, #tpu.memory_space<semaphore_mem>>)
      %dma_wait3A_47 = arith.constant 0 : i32
      %dma_wait3A_48 = tpu.memref_slice %arg5[%mul3A_38, %dma_wait3A_47] : memref<39x128xi32, #tpu.memory_space<vmem>> -> memref<1x128xi32, #tpu.memory_space<vmem>>
      %dma_wait3A_49 = tpu.memref_squeeze %dma_wait3A_48 : memref<1x128xi32, #tpu.memory_space<vmem>> -> memref<128xi32, #tpu.memory_space<vmem>>
      %dma_wait3A_50 = arith.constant 0 : i32
      %dma_wait3A_51 = arith.constant 0 : i32
      %dma_wait3A_52 = tpu.memref_slice %arg2[%dma_wait3A_50, %dma_wait3A_51] : memref<10000x32xf32, #tpu.memory_space<hbm>> -> memref<10000x32xf32, #tpu.memory_space<hbm>>
      tpu.wait_indirect_dma semaphore(%arg9 : memref<!tpu.dma_semaphore, #tpu.memory_space<semaphore_mem>>) src(%dma_wait3A_52 : memref<10000x32xf32, #tpu.memory_space<hbm>>) dst(%arg6 : memref<128x32xf32, #tpu.memory_space<vmem>>)
      %mul3A_53 = arith.constant 32 : i32
      %mul3A_54 = arith.muli %mul3A_38, %mul3A_53 : i32
      %add3A_55 = arith.addi %add3A, %mul3A_54 : i32
      %mul3A_56 = arith.constant 128 : i32
      %mul3A_57 = arith.muli %add3A_55, %mul3A_56 : i32
      "tpu.region"() ({
        %run_scoped3A = tpu.sem_alloc : memref<!tpu.dma_semaphore, #tpu.memory_space<semaphore_mem>>
        %dma_start3A_79 = arith.constant 0 : i32
        %dma_start3A_80 = tpu.memref_slice %arg4[%mul3A_57, %dma_start3A_79] : memref<160000x32xf32, #tpu.memory_space<hbm>> -> memref<128x32xf32, #tpu.memory_space<hbm>>
        %dma_start3A_81 = arith.constant 0 : i32
        %dma_start3A_82 = tpu.memref_slice %arg4[%mul3A_57, %dma_start3A_81] : memref<160000x32xf32, #tpu.memory_space<hbm>> -> memref<128x32xf32, #tpu.memory_space<hbm>>
        tpu.enqueue_dma source(%arg6 : memref<128x32xf32, #tpu.memory_space<vmem>>) target(%dma_start3A_82 : memref<128x32xf32, #tpu.memory_space<hbm>>) target_semaphore(%run_scoped3A : memref<!tpu.dma_semaphore, #tpu.memory_space<semaphore_mem>>)
        %dma_wait3A_83 = arith.constant 0 : i32
        %dma_wait3A_84 = tpu.memref_slice %arg4[%mul3A_57, %dma_wait3A_83] : memref<160000x32xf32, #tpu.memory_space<hbm>> -> memref<128x32xf32, #tpu.memory_space<hbm>>
        %dma_wait3A_85 = arith.constant 0 : i32
        %dma_wait3A_86 = tpu.memref_slice %arg4[%mul3A_57, %dma_wait3A_85] : memref<160000x32xf32, #tpu.memory_space<hbm>> -> memref<128x32xf32, #tpu.memory_space<hbm>>
        tpu.wait_dma2 semaphore(%run_scoped3A : memref<!tpu.dma_semaphore, #tpu.memory_space<semaphore_mem>>) src(%arg6 : memref<128x32xf32, #tpu.memory_space<vmem>>) dst(%dma_wait3A_86 : memref<128x32xf32, #tpu.memory_space<hbm>>)
        tpu.yield
      }) : () -> ()
      %add3A_58 = arith.constant 2 : i32
      %add3A_59 = arith.addi %mul3A_38, %add3A_58 : i32
      %dma_start3A_60 = arith.constant 0 : i32
      %dma_start3A_61 = tpu.memref_slice %arg5[%add3A_59, %dma_start3A_60] : memref<39x128xi32, #tpu.memory_space<vmem>> -> memref<1x128xi32, #tpu.memory_space<vmem>>
      %dma_start3A_62 = tpu.memref_squeeze %dma_start3A_61 : memref<1x128xi32, #tpu.memory_space<vmem>> -> memref<128xi32, #tpu.memory_space<vmem>>
      %dma_start3A_63 = arith.constant 0 : i32
      %dma_start3A_64 = arith.constant 0 : i32
      %dma_start3A_65 = tpu.memref_slice %arg2[%dma_start3A_63, %dma_start3A_64] : memref<10000x32xf32, #tpu.memory_space<hbm>> -> memref<10000x32xf32, #tpu.memory_space<hbm>>
      tpu.enqueue_indirect_dma source(%dma_start3A_65 : memref<10000x32xf32, #tpu.memory_space<hbm>>) target(%arg6 : memref<128x32xf32, #tpu.memory_space<vmem>>) offsets(%dma_start3A_62 : memref<128xi32, #tpu.memory_space<vmem>>) semaphore(%arg9 : memref<!tpu.dma_semaphore, #tpu.memory_space<semaphore_mem>>)
      %add3A_66 = arith.constant 1 : i32
      %add3A_67 = arith.addi %mul3A_38, %add3A_66 : i32
      %dma_wait3A_68 = arith.constant 0 : i32
      %dma_wait3A_69 = tpu.memref_slice %arg5[%add3A_67, %dma_wait3A_68] : memref<39x128xi32, #tpu.memory_space<vmem>> -> memref<1x128xi32, #tpu.memory_space<vmem>>
      %dma_wait3A_70 = tpu.memref_squeeze %dma_wait3A_69 : memref<1x128xi32, #tpu.memory_space<vmem>> -> memref<128xi32, #tpu.memory_space<vmem>>
      %dma_wait3A_71 = arith.constant 0 : i32
      %dma_wait3A_72 = arith.constant 0 : i32
      %dma_wait3A_73 = tpu.memref_slice %arg2[%dma_wait3A_71, %dma_wait3A_72] : memref<10000x32xf32, #tpu.memory_space<hbm>> -> memref<10000x32xf32, #tpu.memory_space<hbm>>
      tpu.wait_indirect_dma semaphore(%arg10 : memref<!tpu.dma_semaphore, #tpu.memory_space<semaphore_mem>>) src(%dma_wait3A_73 : memref<10000x32xf32, #tpu.memory_space<hbm>>) dst(%arg7 : memref<128x32xf32, #tpu.memory_space<vmem>>)
      %mul3A_74 = arith.constant 32 : i32
      %mul3A_75 = arith.muli %add3A_67, %mul3A_74 : i32
      %add3A_76 = arith.addi %add3A, %mul3A_75 : i32
      %mul3A_77 = arith.constant 128 : i32
      %mul3A_78 = arith.muli %add3A_76, %mul3A_77 : i32
      "tpu.region"() ({
        %run_scoped3A = tpu.sem_alloc : memref<!tpu.dma_semaphore, #tpu.memory_space<semaphore_mem>>
        %dma_start3A_79 = arith.constant 0 : i32
        %dma_start3A_80 = tpu.memref_slice %arg4[%mul3A_78, %dma_start3A_79] : memref<160000x32xf32, #tpu.memory_space<hbm>> -> memref<128x32xf32, #tpu.memory_space<hbm>>
        %dma_start3A_81 = arith.constant 0 : i32
        %dma_start3A_82 = tpu.memref_slice %arg4[%mul3A_78, %dma_start3A_81] : memref<160000x32xf32, #tpu.memory_space<hbm>> -> memref<128x32xf32, #tpu.memory_space<hbm>>
        tpu.enqueue_dma source(%arg7 : memref<128x32xf32, #tpu.memory_space<vmem>>) target(%dma_start3A_82 : memref<128x32xf32, #tpu.memory_space<hbm>>) target_semaphore(%run_scoped3A : memref<!tpu.dma_semaphore, #tpu.memory_space<semaphore_mem>>)
        %dma_wait3A_83 = arith.constant 0 : i32
        %dma_wait3A_84 = tpu.memref_slice %arg4[%mul3A_78, %dma_wait3A_83] : memref<160000x32xf32, #tpu.memory_space<hbm>> -> memref<128x32xf32, #tpu.memory_space<hbm>>
        %dma_wait3A_85 = arith.constant 0 : i32
        %dma_wait3A_86 = tpu.memref_slice %arg4[%mul3A_78, %dma_wait3A_85] : memref<160000x32xf32, #tpu.memory_space<hbm>> -> memref<128x32xf32, #tpu.memory_space<hbm>>
        tpu.wait_dma2 semaphore(%run_scoped3A : memref<!tpu.dma_semaphore, #tpu.memory_space<semaphore_mem>>) src(%arg7 : memref<128x32xf32, #tpu.memory_space<vmem>>) dst(%dma_wait3A_86 : memref<128x32xf32, #tpu.memory_space<hbm>>)
        tpu.yield
      }) : () -> ()
    }
    %scan3A_23 = arith.constant 19 : i32
    %dma_wait3A = arith.constant 38 : i32
    %dma_wait3A_24 = arith.constant 0 : i32
    %dma_wait3A_25 = tpu.memref_slice %arg5[%dma_wait3A, %dma_wait3A_24] : memref<39x128xi32, #tpu.memory_space<vmem>> -> memref<1x128xi32, #tpu.memory_space<vmem>>
    %dma_wait3A_26 = tpu.memref_squeeze %dma_wait3A_25 : memref<1x128xi32, #tpu.memory_space<vmem>> -> memref<128xi32, #tpu.memory_space<vmem>>
    %dma_wait3A_27 = arith.constant 0 : i32
    %dma_wait3A_28 = arith.constant 0 : i32
    %dma_wait3A_29 = tpu.memref_slice %arg2[%dma_wait3A_27, %dma_wait3A_28] : memref<10000x32xf32, #tpu.memory_space<hbm>> -> memref<10000x32xf32, #tpu.memory_space<hbm>>
    tpu.wait_indirect_dma semaphore(%arg9 : memref<!tpu.dma_semaphore, #tpu.memory_space<semaphore_mem>>) src(%dma_wait3A_29 : memref<10000x32xf32, #tpu.memory_space<hbm>>) dst(%arg6 : memref<128x32xf32, #tpu.memory_space<vmem>>)
    %add3A_30 = arith.constant 1216 : i32
    %add3A_31 = arith.addi %add3A, %add3A_30 : i32
    %mul3A_32 = arith.constant 128 : i32
    %mul3A_33 = arith.muli %add3A_31, %mul3A_32 : i32
    "tpu.region"() ({
      %run_scoped3A = tpu.sem_alloc : memref<!tpu.dma_semaphore, #tpu.memory_space<semaphore_mem>>
      %dma_start3A_36 = arith.constant 0 : i32
      %dma_start3A_37 = tpu.memref_slice %arg4[%mul3A_33, %dma_start3A_36] : memref<160000x32xf32, #tpu.memory_space<hbm>> -> memref<128x32xf32, #tpu.memory_space<hbm>>
      %dma_start3A_38 = arith.constant 0 : i32
      %dma_start3A_39 = tpu.memref_slice %arg4[%mul3A_33, %dma_start3A_38] : memref<160000x32xf32, #tpu.memory_space<hbm>> -> memref<128x32xf32, #tpu.memory_space<hbm>>
      tpu.enqueue_dma source(%arg6 : memref<128x32xf32, #tpu.memory_space<vmem>>) target(%dma_start3A_39 : memref<128x32xf32, #tpu.memory_space<hbm>>) target_semaphore(%run_scoped3A : memref<!tpu.dma_semaphore, #tpu.memory_space<semaphore_mem>>)
      %dma_wait3A_40 = arith.constant 0 : i32
      %dma_wait3A_41 = tpu.memref_slice %arg4[%mul3A_33, %dma_wait3A_40] : memref<160000x32xf32, #tpu.memory_space<hbm>> -> memref<128x32xf32, #tpu.memory_space<hbm>>
      %dma_wait3A_42 = arith.constant 0 : i32
      %dma_wait3A_43 = tpu.memref_slice %arg4[%mul3A_33, %dma_wait3A_42] : memref<160000x32xf32, #tpu.memory_space<hbm>> -> memref<128x32xf32, #tpu.memory_space<hbm>>
      tpu.wait_dma2 semaphore(%run_scoped3A : memref<!tpu.dma_semaphore, #tpu.memory_space<semaphore_mem>>) src(%arg6 : memref<128x32xf32, #tpu.memory_space<vmem>>) dst(%dma_wait3A_43 : memref<128x32xf32, #tpu.memory_space<hbm>>)
      tpu.yield
    }) : () -> ()
    %lt3A = arith.constant 2 : i32
    %lt3A_34 = arith.cmpi slt, %add3A, %lt3A : i32
    %convert_element_type3A = arith.extui %lt3A_34 : i1 to i32
    %cond3A = arith.constant 0 : i32
    %cond3A_35 = arith.cmpi ne, %convert_element_type3A, %cond3A : i32
    scf.if %cond3A_35 {
      %add3A_36 = arith.constant 1248 : i32
      %add3A_37 = arith.addi %add3A, %add3A_36 : i32
      %mul3A_38 = arith.constant 128 : i32
      %mul3A_39 = arith.muli %add3A_37, %mul3A_38 : i32
      %run_scoped3A = arith.constant 0 : i32
      "tpu.region"() ({
        %run_scoped3A_58 = tpu.sem_alloc : memref<!tpu.dma_semaphore, #tpu.memory_space<semaphore_mem>>
        %dma_start3A_59 = arith.constant 0 : i32
        %dma_start3A_60 = tpu.memref_slice %arg5[%run_scoped3A, %dma_start3A_59] : memref<39x128xi32, #tpu.memory_space<vmem>> -> memref<1x128xi32, #tpu.memory_space<vmem>>
        %dma_start3A_61 = tpu.memref_squeeze %dma_start3A_60 : memref<1x128xi32, #tpu.memory_space<vmem>> -> memref<128xi32, #tpu.memory_space<vmem>>
        %dma_start3A_62 = tpu.memref_slice %arg3[%mul3A_39] : memref<160000xi32, #tpu.memory_space<hbm>> -> memref<128xi32, #tpu.memory_space<hbm>>
        %dma_start3A_63 = arith.constant 0 : i32
        %dma_start3A_64 = tpu.memref_slice %arg5[%run_scoped3A, %dma_start3A_63] : memref<39x128xi32, #tpu.memory_space<vmem>> -> memref<1x128xi32, #tpu.memory_space<vmem>>
        %dma_start3A_65 = tpu.memref_squeeze %dma_start3A_64 : memref<1x128xi32, #tpu.memory_space<vmem>> -> memref<128xi32, #tpu.memory_space<vmem>>
        %dma_start3A_66 = tpu.memref_slice %arg3[%mul3A_39] : memref<160000xi32, #tpu.memory_space<hbm>> -> memref<128xi32, #tpu.memory_space<hbm>>
        tpu.enqueue_dma source(%dma_start3A_66 : memref<128xi32, #tpu.memory_space<hbm>>) target(%dma_start3A_65 : memref<128xi32, #tpu.memory_space<vmem>>) target_semaphore(%run_scoped3A_58 : memref<!tpu.dma_semaphore, #tpu.memory_space<semaphore_mem>>)
        %dma_wait3A_67 = arith.constant 0 : i32
        %dma_wait3A_68 = tpu.memref_slice %arg5[%run_scoped3A, %dma_wait3A_67] : memref<39x128xi32, #tpu.memory_space<vmem>> -> memref<1x128xi32, #tpu.memory_space<vmem>>
        %dma_wait3A_69 = tpu.memref_squeeze %dma_wait3A_68 : memref<1x128xi32, #tpu.memory_space<vmem>> -> memref<128xi32, #tpu.memory_space<vmem>>
        %dma_wait3A_70 = tpu.memref_slice %arg3[%mul3A_39] : memref<160000xi32, #tpu.memory_space<hbm>> -> memref<128xi32, #tpu.memory_space<hbm>>
        %dma_wait3A_71 = arith.constant 0 : i32
        %dma_wait3A_72 = tpu.memref_slice %arg5[%run_scoped3A, %dma_wait3A_71] : memref<39x128xi32, #tpu.memory_space<vmem>> -> memref<1x128xi32, #tpu.memory_space<vmem>>
        %dma_wait3A_73 = tpu.memref_squeeze %dma_wait3A_72 : memref<1x128xi32, #tpu.memory_space<vmem>> -> memref<128xi32, #tpu.memory_space<vmem>>
        %dma_wait3A_74 = tpu.memref_slice %arg3[%mul3A_39] : memref<160000xi32, #tpu.memory_space<hbm>> -> memref<128xi32, #tpu.memory_space<hbm>>
        tpu.wait_dma2 semaphore(%run_scoped3A_58 : memref<!tpu.dma_semaphore, #tpu.memory_space<semaphore_mem>>) src(%dma_wait3A_74 : memref<128xi32, #tpu.memory_space<hbm>>) dst(%dma_wait3A_73 : memref<128xi32, #tpu.memory_space<vmem>>)
        tpu.yield
      }) : () -> ()
      %dma_start3A_40 = arith.constant 0 : i32
      %dma_start3A_41 = arith.constant 0 : i32
      %dma_start3A_42 = tpu.memref_slice %arg5[%dma_start3A_40, %dma_start3A_41] : memref<39x128xi32, #tpu.memory_space<vmem>> -> memref<1x128xi32, #tpu.memory_space<vmem>>
      %dma_start3A_43 = tpu.memref_squeeze %dma_start3A_42 : memref<1x128xi32, #tpu.memory_space<vmem>> -> memref<128xi32, #tpu.memory_space<vmem>>
      %dma_start3A_44 = arith.constant 0 : i32
      %dma_start3A_45 = arith.constant 0 : i32
      %dma_start3A_46 = tpu.memref_slice %arg2[%dma_start3A_44, %dma_start3A_45] : memref<10000x32xf32, #tpu.memory_space<hbm>> -> memref<10000x32xf32, #tpu.memory_space<hbm>>
      tpu.enqueue_indirect_dma source(%dma_start3A_46 : memref<10000x32xf32, #tpu.memory_space<hbm>>) target(%arg6 : memref<128x32xf32, #tpu.memory_space<vmem>>) offsets(%dma_start3A_43 : memref<128xi32, #tpu.memory_space<vmem>>) semaphore(%arg9 : memref<!tpu.dma_semaphore, #tpu.memory_space<semaphore_mem>>)
      %dma_wait3A_47 = arith.constant 0 : i32
      %dma_wait3A_48 = arith.constant 0 : i32
      %dma_wait3A_49 = tpu.memref_slice %arg5[%dma_wait3A_47, %dma_wait3A_48] : memref<39x128xi32, #tpu.memory_space<vmem>> -> memref<1x128xi32, #tpu.memory_space<vmem>>
      %dma_wait3A_50 = tpu.memref_squeeze %dma_wait3A_49 : memref<1x128xi32, #tpu.memory_space<vmem>> -> memref<128xi32, #tpu.memory_space<vmem>>
      %dma_wait3A_51 = arith.constant 0 : i32
      %dma_wait3A_52 = arith.constant 0 : i32
      %dma_wait3A_53 = tpu.memref_slice %arg2[%dma_wait3A_51, %dma_wait3A_52] : memref<10000x32xf32, #tpu.memory_space<hbm>> -> memref<10000x32xf32, #tpu.memory_space<hbm>>
      tpu.wait_indirect_dma semaphore(%arg9 : memref<!tpu.dma_semaphore, #tpu.memory_space<semaphore_mem>>) src(%dma_wait3A_53 : memref<10000x32xf32, #tpu.memory_space<hbm>>) dst(%arg6 : memref<128x32xf32, #tpu.memory_space<vmem>>)
      %add3A_54 = arith.constant 1248 : i32
      %add3A_55 = arith.addi %add3A, %add3A_54 : i32
      %mul3A_56 = arith.constant 128 : i32
      %mul3A_57 = arith.muli %add3A_55, %mul3A_56 : i32
      "tpu.region"() ({
        %run_scoped3A_58 = tpu.sem_alloc : memref<!tpu.dma_semaphore, #tpu.memory_space<semaphore_mem>>
        %dma_start3A_59 = arith.constant 0 : i32
        %dma_start3A_60 = tpu.memref_slice %arg4[%mul3A_57, %dma_start3A_59] : memref<160000x32xf32, #tpu.memory_space<hbm>> -> memref<128x32xf32, #tpu.memory_space<hbm>>
        %dma_start3A_61 = arith.constant 0 : i32
        %dma_start3A_62 = tpu.memref_slice %arg4[%mul3A_57, %dma_start3A_61] : memref<160000x32xf32, #tpu.memory_space<hbm>> -> memref<128x32xf32, #tpu.memory_space<hbm>>
        tpu.enqueue_dma source(%arg6 : memref<128x32xf32, #tpu.memory_space<vmem>>) target(%dma_start3A_62 : memref<128x32xf32, #tpu.memory_space<hbm>>) target_semaphore(%run_scoped3A_58 : memref<!tpu.dma_semaphore, #tpu.memory_space<semaphore_mem>>)
        %dma_wait3A_63 = arith.constant 0 : i32
        %dma_wait3A_64 = tpu.memref_slice %arg4[%mul3A_57, %dma_wait3A_63] : memref<160000x32xf32, #tpu.memory_space<hbm>> -> memref<128x32xf32, #tpu.memory_space<hbm>>
        %dma_wait3A_65 = arith.constant 0 : i32
        %dma_wait3A_66 = tpu.memref_slice %arg4[%mul3A_57, %dma_wait3A_65] : memref<160000x32xf32, #tpu.memory_space<hbm>> -> memref<128x32xf32, #tpu.memory_space<hbm>>
        tpu.wait_dma2 semaphore(%run_scoped3A_58 : memref<!tpu.dma_semaphore, #tpu.memory_space<semaphore_mem>>) src(%arg6 : memref<128x32xf32, #tpu.memory_space<vmem>>) dst(%dma_wait3A_66 : memref<128x32xf32, #tpu.memory_space<hbm>>)
        tpu.yield
      }) : () -> ()
    } else {
    }
    return
  }
}

#map = affine_map<(d0, d1) -> (0, 0)>
#map1 = affine_map<(d0, d1) -> (0)>
module attributes {stable_mosaic.version = 14 : i64} {
  func.func @_scatter_body(%arg0: i32, %arg1: i32, %arg2: memref<160000x32xf32, #tpu.memory_space<hbm>>, %arg3: memref<160000xi32, #tpu.memory_space<hbm>>, %arg4: memref<624x32xf32, #tpu.memory_space<hbm>>, %arg5: memref<20000x32xf32, #tpu.memory_space<hbm>>, %arg6: memref<39x128xi32, #tpu.memory_space<vmem>>, %arg7: memref<128x32xf32, #tpu.memory_space<vmem>>, %arg8: memref<128x32xf32, #tpu.memory_space<vmem>>, %arg9: memref<10000x32xf32, #tpu.memory_space<vmem_shared>>, %arg10: memref<!tpu.dma_semaphore, #tpu.memory_space<semaphore_mem>>, %arg11: memref<!tpu.dma_semaphore, #tpu.memory_space<semaphore_mem>>, %arg12: memref<!tpu.dma_semaphore, #tpu.memory_space<semaphore_mem>>) attributes {dimension_semantics = [#tpu.dimension_semantics<core_parallel>, #tpu.dimension_semantics<subcore_parallel>], iteration_bounds = array<i64: 2, 16>, scalar_prefetch = 0 : i64, scratch_operands = 7 : i64, tpu.core_type = #tpu.core_type<sc_vector_subcore>, window_params = [{transform_indices = #map}, {transform_indices = #map1}, {transform_indices = #map}, {transform_indices = #map}]} {
    %mul3A = arith.constant 2 : i32
    %mul3A_0 = arith.muli %arg1, %mul3A : i32
    %add3A = arith.addi %mul3A_0, %arg0 : i32
    %mul3A_1 = arith.constant 624 : i32
    %mul3A_2 = arith.muli %arg1, %mul3A_1 : i32
    "tpu.region"() ({
      %run_scoped3A_49 = tpu.sem_alloc : memref<!tpu.dma_semaphore, #tpu.memory_space<semaphore_mem>>
      %dma_start3A_50 = arith.constant 0 : i32
      %dma_start3A_51 = tpu.memref_slice %arg9[%mul3A_2, %dma_start3A_50] : memref<10000x32xf32, #tpu.memory_space<vmem_shared>> -> memref<624x32xf32, #tpu.memory_space<vmem_shared>>
      %dma_start3A_52 = arith.constant 0 : i32
      %dma_start3A_53 = arith.constant 0 : i32
      %dma_start3A_54 = tpu.memref_slice %arg4[%dma_start3A_52, %dma_start3A_53] : memref<624x32xf32, #tpu.memory_space<hbm>> -> memref<624x32xf32, #tpu.memory_space<hbm>>
      tpu.enqueue_dma source(%dma_start3A_54 : memref<624x32xf32, #tpu.memory_space<hbm>>) target(%dma_start3A_51 : memref<624x32xf32, #tpu.memory_space<vmem_shared>>) target_semaphore(%run_scoped3A_49 : memref<!tpu.dma_semaphore, #tpu.memory_space<semaphore_mem>>)
      %dma_wait3A_55 = arith.constant 0 : i32
      %dma_wait3A_56 = tpu.memref_slice %arg9[%mul3A_2, %dma_wait3A_55] : memref<10000x32xf32, #tpu.memory_space<vmem_shared>> -> memref<624x32xf32, #tpu.memory_space<vmem_shared>>
      %dma_wait3A_57 = arith.constant 0 : i32
      %dma_wait3A_58 = arith.constant 0 : i32
      %dma_wait3A_59 = tpu.memref_slice %arg4[%dma_wait3A_57, %dma_wait3A_58] : memref<624x32xf32, #tpu.memory_space<hbm>> -> memref<624x32xf32, #tpu.memory_space<hbm>>
      tpu.wait_dma2 semaphore(%run_scoped3A_49 : memref<!tpu.dma_semaphore, #tpu.memory_space<semaphore_mem>>) src(%dma_wait3A_59 : memref<624x32xf32, #tpu.memory_space<hbm>>) dst(%dma_wait3A_56 : memref<624x32xf32, #tpu.memory_space<vmem_shared>>)
      tpu.yield
    }) : () -> ()
    %eq3A = arith.constant 0 : i32
    %eq3A_3 = arith.cmpi eq, %arg1, %eq3A : i32
    %convert_element_type3A = arith.extui %eq3A_3 : i1 to i32
    %cond3A = arith.constant 0 : i32
    %cond3A_4 = arith.cmpi ne, %convert_element_type3A, %cond3A : i32
    scf.if %cond3A_4 {
      "tpu.region"() ({
        %run_scoped3A_49 = tpu.sem_alloc : memref<!tpu.dma_semaphore, #tpu.memory_space<semaphore_mem>>
        %dma_start3A_50 = arith.constant 9984 : i32
        %dma_start3A_51 = arith.constant 0 : i32
        %dma_start3A_52 = tpu.memref_slice %arg9[%dma_start3A_50, %dma_start3A_51] : memref<10000x32xf32, #tpu.memory_space<vmem_shared>> -> memref<16x32xf32, #tpu.memory_space<vmem_shared>>
        %dma_start3A_53 = arith.constant 0 : i32
        %dma_start3A_54 = arith.constant 0 : i32
        %dma_start3A_55 = tpu.memref_slice %arg4[%dma_start3A_53, %dma_start3A_54] : memref<624x32xf32, #tpu.memory_space<hbm>> -> memref<16x32xf32, #tpu.memory_space<hbm>>
        tpu.enqueue_dma source(%dma_start3A_55 : memref<16x32xf32, #tpu.memory_space<hbm>>) target(%dma_start3A_52 : memref<16x32xf32, #tpu.memory_space<vmem_shared>>) target_semaphore(%run_scoped3A_49 : memref<!tpu.dma_semaphore, #tpu.memory_space<semaphore_mem>>)
        %dma_wait3A_56 = arith.constant 9984 : i32
        %dma_wait3A_57 = arith.constant 0 : i32
        %dma_wait3A_58 = tpu.memref_slice %arg9[%dma_wait3A_56, %dma_wait3A_57] : memref<10000x32xf32, #tpu.memory_space<vmem_shared>> -> memref<16x32xf32, #tpu.memory_space<vmem_shared>>
        %dma_wait3A_59 = arith.constant 0 : i32
        %dma_wait3A_60 = arith.constant 0 : i32
        %dma_wait3A_61 = tpu.memref_slice %arg4[%dma_wait3A_59, %dma_wait3A_60] : memref<624x32xf32, #tpu.memory_space<hbm>> -> memref<16x32xf32, #tpu.memory_space<hbm>>
        tpu.wait_dma2 semaphore(%run_scoped3A_49 : memref<!tpu.dma_semaphore, #tpu.memory_space<semaphore_mem>>) src(%dma_wait3A_61 : memref<16x32xf32, #tpu.memory_space<hbm>>) dst(%dma_wait3A_58 : memref<16x32xf32, #tpu.memory_space<vmem_shared>>)
        tpu.yield
      }) : () -> ()
    } else {
    }
    %scan3A = arith.constant 0 : i32
    %scan3A_5 = arith.constant 0 : i32
    %scan3A_6 = arith.constant 39 : i32
    %scan3A_7 = arith.addi %scan3A_5, %scan3A_6 : i32
    %scan3A_8 = arith.constant 1 : i32
    scf.for %scan3A_49 = %scan3A_5 to %scan3A_7 step %scan3A_8  : i32 {
      %mul3A_50 = arith.constant 32 : i32
      %mul3A_51 = arith.muli %scan3A_49, %mul3A_50 : i32
      %add3A_52 = arith.addi %add3A, %mul3A_51 : i32
      %mul3A_53 = arith.constant 128 : i32
      %mul3A_54 = arith.muli %add3A_52, %mul3A_53 : i32
      %dma_start3A_55 = arith.constant 0 : i32
      %dma_start3A_56 = tpu.memref_slice %arg6[%scan3A_49, %dma_start3A_55] : memref<39x128xi32, #tpu.memory_space<vmem>> -> memref<1x128xi32, #tpu.memory_space<vmem>>
      %dma_start3A_57 = tpu.memref_squeeze %dma_start3A_56 : memref<1x128xi32, #tpu.memory_space<vmem>> -> memref<128xi32, #tpu.memory_space<vmem>>
      %dma_start3A_58 = tpu.memref_slice %arg3[%mul3A_54] : memref<160000xi32, #tpu.memory_space<hbm>> -> memref<128xi32, #tpu.memory_space<hbm>>
      %dma_start3A_59 = arith.constant 0 : i32
      %dma_start3A_60 = tpu.memref_slice %arg6[%scan3A_49, %dma_start3A_59] : memref<39x128xi32, #tpu.memory_space<vmem>> -> memref<1x128xi32, #tpu.memory_space<vmem>>
      %dma_start3A_61 = tpu.memref_squeeze %dma_start3A_60 : memref<1x128xi32, #tpu.memory_space<vmem>> -> memref<128xi32, #tpu.memory_space<vmem>>
      %dma_start3A_62 = tpu.memref_slice %arg3[%mul3A_54] : memref<160000xi32, #tpu.memory_space<hbm>> -> memref<128xi32, #tpu.memory_space<hbm>>
      tpu.enqueue_dma source(%dma_start3A_62 : memref<128xi32, #tpu.memory_space<hbm>>) target(%dma_start3A_61 : memref<128xi32, #tpu.memory_space<vmem>>) target_semaphore(%arg10 : memref<!tpu.dma_semaphore, #tpu.memory_space<semaphore_mem>>)
    }
    %scan3A_9 = arith.constant 39 : i32
    %scan3A_10 = arith.constant 0 : i32
    %scan3A_11 = arith.constant 0 : i32
    %scan3A_12 = arith.constant 39 : i32
    %scan3A_13 = arith.addi %scan3A_11, %scan3A_12 : i32
    %scan3A_14 = arith.constant 1 : i32
    scf.for %scan3A_49 = %scan3A_11 to %scan3A_13 step %scan3A_14  : i32 {
      %dma_wait3A_50 = arith.constant 0 : i32
      %dma_wait3A_51 = tpu.memref_slice %arg6[%scan3A_49, %dma_wait3A_50] : memref<39x128xi32, #tpu.memory_space<vmem>> -> memref<1x128xi32, #tpu.memory_space<vmem>>
      %dma_wait3A_52 = tpu.memref_squeeze %dma_wait3A_51 : memref<1x128xi32, #tpu.memory_space<vmem>> -> memref<128xi32, #tpu.memory_space<vmem>>
      %dma_wait3A_53 = arith.constant 0 : i32
      %dma_wait3A_54 = tpu.memref_slice %arg3[%dma_wait3A_53] : memref<160000xi32, #tpu.memory_space<hbm>> -> memref<128xi32, #tpu.memory_space<hbm>>
      %dma_wait3A_55 = arith.constant 0 : i32
      %dma_wait3A_56 = tpu.memref_slice %arg6[%scan3A_49, %dma_wait3A_55] : memref<39x128xi32, #tpu.memory_space<vmem>> -> memref<1x128xi32, #tpu.memory_space<vmem>>
      %dma_wait3A_57 = tpu.memref_squeeze %dma_wait3A_56 : memref<1x128xi32, #tpu.memory_space<vmem>> -> memref<128xi32, #tpu.memory_space<vmem>>
      %dma_wait3A_58 = arith.constant 0 : i32
      %dma_wait3A_59 = tpu.memref_slice %arg3[%dma_wait3A_58] : memref<160000xi32, #tpu.memory_space<hbm>> -> memref<128xi32, #tpu.memory_space<hbm>>
      tpu.wait_dma2 semaphore(%arg10 : memref<!tpu.dma_semaphore, #tpu.memory_space<semaphore_mem>>) src(%dma_wait3A_59 : memref<128xi32, #tpu.memory_space<hbm>>) dst(%dma_wait3A_57 : memref<128xi32, #tpu.memory_space<vmem>>)
    }
    %scan3A_15 = arith.constant 39 : i32
    %barrier3A = arith.constant 0 : index
    tpu.barrier barrier_id(%barrier3A)
    %add3A_16 = arith.constant 0 : i32
    %add3A_17 = arith.addi %add3A, %add3A_16 : i32
    %mul3A_18 = arith.constant 128 : i32
    %mul3A_19 = arith.muli %add3A_17, %mul3A_18 : i32
    %dma_start3A = arith.constant 0 : i32
    %dma_start3A_20 = tpu.memref_slice %arg2[%mul3A_19, %dma_start3A] : memref<160000x32xf32, #tpu.memory_space<hbm>> -> memref<128x32xf32, #tpu.memory_space<hbm>>
    %dma_start3A_21 = arith.constant 0 : i32
    %dma_start3A_22 = tpu.memref_slice %arg2[%mul3A_19, %dma_start3A_21] : memref<160000x32xf32, #tpu.memory_space<hbm>> -> memref<128x32xf32, #tpu.memory_space<hbm>>
    tpu.enqueue_dma source(%dma_start3A_22 : memref<128x32xf32, #tpu.memory_space<hbm>>) target(%arg7 : memref<128x32xf32, #tpu.memory_space<vmem>>) target_semaphore(%arg11 : memref<!tpu.dma_semaphore, #tpu.memory_space<semaphore_mem>>)
    %scan3A_23 = arith.constant 0 : i32
    %scan3A_24 = arith.constant 0 : i32
    %scan3A_25 = arith.constant 19 : i32
    %scan3A_26 = arith.addi %scan3A_24, %scan3A_25 : i32
    %scan3A_27 = arith.constant 1 : i32
    scf.for %scan3A_49 = %scan3A_24 to %scan3A_26 step %scan3A_27  : i32 {
      %mul3A_50 = arith.constant 2 : i32
      %mul3A_51 = arith.muli %mul3A_50, %scan3A_49 : i32
      %add3A_52 = arith.constant 1 : i32
      %add3A_53 = arith.addi %mul3A_51, %add3A_52 : i32
      %mul3A_54 = arith.constant 32 : i32
      %mul3A_55 = arith.muli %add3A_53, %mul3A_54 : i32
      %add3A_56 = arith.addi %add3A, %mul3A_55 : i32
      %mul3A_57 = arith.constant 128 : i32
      %mul3A_58 = arith.muli %add3A_56, %mul3A_57 : i32
      %dma_start3A_59 = arith.constant 0 : i32
      %dma_start3A_60 = tpu.memref_slice %arg2[%mul3A_58, %dma_start3A_59] : memref<160000x32xf32, #tpu.memory_space<hbm>> -> memref<128x32xf32, #tpu.memory_space<hbm>>
      %dma_start3A_61 = arith.constant 0 : i32
      %dma_start3A_62 = tpu.memref_slice %arg2[%mul3A_58, %dma_start3A_61] : memref<160000x32xf32, #tpu.memory_space<hbm>> -> memref<128x32xf32, #tpu.memory_space<hbm>>
      tpu.enqueue_dma source(%dma_start3A_62 : memref<128x32xf32, #tpu.memory_space<hbm>>) target(%arg8 : memref<128x32xf32, #tpu.memory_space<vmem>>) target_semaphore(%arg12 : memref<!tpu.dma_semaphore, #tpu.memory_space<semaphore_mem>>)
      %mul3A_63 = arith.constant 32 : i32
      %mul3A_64 = arith.muli %mul3A_51, %mul3A_63 : i32
      %add3A_65 = arith.addi %add3A, %mul3A_64 : i32
      %mul3A_66 = arith.constant 128 : i32
      %mul3A_67 = arith.muli %add3A_65, %mul3A_66 : i32
      %dma_wait3A_68 = arith.constant 0 : i32
      %dma_wait3A_69 = tpu.memref_slice %arg2[%mul3A_67, %dma_wait3A_68] : memref<160000x32xf32, #tpu.memory_space<hbm>> -> memref<128x32xf32, #tpu.memory_space<hbm>>
      %dma_wait3A_70 = arith.constant 0 : i32
      %dma_wait3A_71 = tpu.memref_slice %arg2[%mul3A_67, %dma_wait3A_70] : memref<160000x32xf32, #tpu.memory_space<hbm>> -> memref<128x32xf32, #tpu.memory_space<hbm>>
      tpu.wait_dma2 semaphore(%arg11 : memref<!tpu.dma_semaphore, #tpu.memory_space<semaphore_mem>>) src(%dma_wait3A_71 : memref<128x32xf32, #tpu.memory_space<hbm>>) dst(%arg7 : memref<128x32xf32, #tpu.memory_space<vmem>>)
      "tpu.region"() ({
        %run_scoped3A_94 = tpu.sem_alloc : memref<!tpu.dma_semaphore, #tpu.memory_space<semaphore_mem>>
        %dma_start3A_95 = arith.constant 0 : i32
        %dma_start3A_96 = tpu.memref_slice %arg6[%mul3A_51, %dma_start3A_95] : memref<39x128xi32, #tpu.memory_space<vmem>> -> memref<1x128xi32, #tpu.memory_space<vmem>>
        %dma_start3A_97 = tpu.memref_squeeze %dma_start3A_96 : memref<1x128xi32, #tpu.memory_space<vmem>> -> memref<128xi32, #tpu.memory_space<vmem>>
        %dma_start3A_98 = arith.constant 0 : i32
        %dma_start3A_99 = arith.constant 0 : i32
        %dma_start3A_100 = tpu.memref_slice %arg9[%dma_start3A_98, %dma_start3A_99] : memref<10000x32xf32, #tpu.memory_space<vmem_shared>> -> memref<10000x32xf32, #tpu.memory_space<vmem_shared>>
        tpu.enqueue_indirect_dma source(%arg7 : memref<128x32xf32, #tpu.memory_space<vmem>>) target(%dma_start3A_100 : memref<10000x32xf32, #tpu.memory_space<vmem_shared>>) offsets(%dma_start3A_97 : memref<128xi32, #tpu.memory_space<vmem>>) semaphore(%run_scoped3A_94 : memref<!tpu.dma_semaphore, #tpu.memory_space<semaphore_mem>>) {add = true}
        %dma_wait3A_101 = arith.constant 0 : i32
        %dma_wait3A_102 = tpu.memref_slice %arg6[%mul3A_51, %dma_wait3A_101] : memref<39x128xi32, #tpu.memory_space<vmem>> -> memref<1x128xi32, #tpu.memory_space<vmem>>
        %dma_wait3A_103 = tpu.memref_squeeze %dma_wait3A_102 : memref<1x128xi32, #tpu.memory_space<vmem>> -> memref<128xi32, #tpu.memory_space<vmem>>
        %dma_wait3A_104 = arith.constant 0 : i32
        %dma_wait3A_105 = arith.constant 0 : i32
        %dma_wait3A_106 = tpu.memref_slice %arg9[%dma_wait3A_104, %dma_wait3A_105] : memref<10000x32xf32, #tpu.memory_space<vmem_shared>> -> memref<10000x32xf32, #tpu.memory_space<vmem_shared>>
        tpu.wait_indirect_dma semaphore(%run_scoped3A_94 : memref<!tpu.dma_semaphore, #tpu.memory_space<semaphore_mem>>) src(%arg7 : memref<128x32xf32, #tpu.memory_space<vmem>>) dst(%dma_wait3A_106 : memref<10000x32xf32, #tpu.memory_space<vmem_shared>>)
        tpu.yield
      }) : () -> ()
      %add3A_72 = arith.constant 2 : i32
      %add3A_73 = arith.addi %mul3A_51, %add3A_72 : i32
      %mul3A_74 = arith.constant 32 : i32
      %mul3A_75 = arith.muli %add3A_73, %mul3A_74 : i32
      %add3A_76 = arith.addi %add3A, %mul3A_75 : i32
      %mul3A_77 = arith.constant 128 : i32
      %mul3A_78 = arith.muli %add3A_76, %mul3A_77 : i32
      %dma_start3A_79 = arith.constant 0 : i32
      %dma_start3A_80 = tpu.memref_slice %arg2[%mul3A_78, %dma_start3A_79] : memref<160000x32xf32, #tpu.memory_space<hbm>> -> memref<128x32xf32, #tpu.memory_space<hbm>>
      %dma_start3A_81 = arith.constant 0 : i32
      %dma_start3A_82 = tpu.memref_slice %arg2[%mul3A_78, %dma_start3A_81] : memref<160000x32xf32, #tpu.memory_space<hbm>> -> memref<128x32xf32, #tpu.memory_space<hbm>>
      tpu.enqueue_dma source(%dma_start3A_82 : memref<128x32xf32, #tpu.memory_space<hbm>>) target(%arg7 : memref<128x32xf32, #tpu.memory_space<vmem>>) target_semaphore(%arg11 : memref<!tpu.dma_semaphore, #tpu.memory_space<semaphore_mem>>)
      %add3A_83 = arith.constant 1 : i32
      %add3A_84 = arith.addi %mul3A_51, %add3A_83 : i32
      %mul3A_85 = arith.constant 32 : i32
      %mul3A_86 = arith.muli %add3A_84, %mul3A_85 : i32
      %add3A_87 = arith.addi %add3A, %mul3A_86 : i32
      %mul3A_88 = arith.constant 128 : i32
      %mul3A_89 = arith.muli %add3A_87, %mul3A_88 : i32
      %dma_wait3A_90 = arith.constant 0 : i32
      %dma_wait3A_91 = tpu.memref_slice %arg2[%mul3A_89, %dma_wait3A_90] : memref<160000x32xf32, #tpu.memory_space<hbm>> -> memref<128x32xf32, #tpu.memory_space<hbm>>
      %dma_wait3A_92 = arith.constant 0 : i32
      %dma_wait3A_93 = tpu.memref_slice %arg2[%mul3A_89, %dma_wait3A_92] : memref<160000x32xf32, #tpu.memory_space<hbm>> -> memref<128x32xf32, #tpu.memory_space<hbm>>
      tpu.wait_dma2 semaphore(%arg12 : memref<!tpu.dma_semaphore, #tpu.memory_space<semaphore_mem>>) src(%dma_wait3A_93 : memref<128x32xf32, #tpu.memory_space<hbm>>) dst(%arg8 : memref<128x32xf32, #tpu.memory_space<vmem>>)
      "tpu.region"() ({
        %run_scoped3A_94 = tpu.sem_alloc : memref<!tpu.dma_semaphore, #tpu.memory_space<semaphore_mem>>
        %dma_start3A_95 = arith.constant 0 : i32
        %dma_start3A_96 = tpu.memref_slice %arg6[%add3A_84, %dma_start3A_95] : memref<39x128xi32, #tpu.memory_space<vmem>> -> memref<1x128xi32, #tpu.memory_space<vmem>>
        %dma_start3A_97 = tpu.memref_squeeze %dma_start3A_96 : memref<1x128xi32, #tpu.memory_space<vmem>> -> memref<128xi32, #tpu.memory_space<vmem>>
        %dma_start3A_98 = arith.constant 0 : i32
        %dma_start3A_99 = arith.constant 0 : i32
        %dma_start3A_100 = tpu.memref_slice %arg9[%dma_start3A_98, %dma_start3A_99] : memref<10000x32xf32, #tpu.memory_space<vmem_shared>> -> memref<10000x32xf32, #tpu.memory_space<vmem_shared>>
        tpu.enqueue_indirect_dma source(%arg8 : memref<128x32xf32, #tpu.memory_space<vmem>>) target(%dma_start3A_100 : memref<10000x32xf32, #tpu.memory_space<vmem_shared>>) offsets(%dma_start3A_97 : memref<128xi32, #tpu.memory_space<vmem>>) semaphore(%run_scoped3A_94 : memref<!tpu.dma_semaphore, #tpu.memory_space<semaphore_mem>>) {add = true}
        %dma_wait3A_101 = arith.constant 0 : i32
        %dma_wait3A_102 = tpu.memref_slice %arg6[%add3A_84, %dma_wait3A_101] : memref<39x128xi32, #tpu.memory_space<vmem>> -> memref<1x128xi32, #tpu.memory_space<vmem>>
        %dma_wait3A_103 = tpu.memref_squeeze %dma_wait3A_102 : memref<1x128xi32, #tpu.memory_space<vmem>> -> memref<128xi32, #tpu.memory_space<vmem>>
        %dma_wait3A_104 = arith.constant 0 : i32
        %dma_wait3A_105 = arith.constant 0 : i32
        %dma_wait3A_106 = tpu.memref_slice %arg9[%dma_wait3A_104, %dma_wait3A_105] : memref<10000x32xf32, #tpu.memory_space<vmem_shared>> -> memref<10000x32xf32, #tpu.memory_space<vmem_shared>>
        tpu.wait_indirect_dma semaphore(%run_scoped3A_94 : memref<!tpu.dma_semaphore, #tpu.memory_space<semaphore_mem>>) src(%arg8 : memref<128x32xf32, #tpu.memory_space<vmem>>) dst(%dma_wait3A_106 : memref<10000x32xf32, #tpu.memory_space<vmem_shared>>)
        tpu.yield
      }) : () -> ()
    }
    %scan3A_28 = arith.constant 19 : i32
    %add3A_29 = arith.constant 1216 : i32
    %add3A_30 = arith.addi %add3A, %add3A_29 : i32
    %mul3A_31 = arith.constant 128 : i32
    %mul3A_32 = arith.muli %add3A_30, %mul3A_31 : i32
    %dma_wait3A = arith.constant 0 : i32
    %dma_wait3A_33 = tpu.memref_slice %arg2[%mul3A_32, %dma_wait3A] : memref<160000x32xf32, #tpu.memory_space<hbm>> -> memref<128x32xf32, #tpu.memory_space<hbm>>
    %dma_wait3A_34 = arith.constant 0 : i32
    %dma_wait3A_35 = tpu.memref_slice %arg2[%mul3A_32, %dma_wait3A_34] : memref<160000x32xf32, #tpu.memory_space<hbm>> -> memref<128x32xf32, #tpu.memory_space<hbm>>
    tpu.wait_dma2 semaphore(%arg11 : memref<!tpu.dma_semaphore, #tpu.memory_space<semaphore_mem>>) src(%dma_wait3A_35 : memref<128x32xf32, #tpu.memory_space<hbm>>) dst(%arg7 : memref<128x32xf32, #tpu.memory_space<vmem>>)
    %run_scoped3A = arith.constant 38 : i32
    "tpu.region"() ({
      %run_scoped3A_49 = tpu.sem_alloc : memref<!tpu.dma_semaphore, #tpu.memory_space<semaphore_mem>>
      %dma_start3A_50 = arith.constant 0 : i32
      %dma_start3A_51 = tpu.memref_slice %arg6[%run_scoped3A, %dma_start3A_50] : memref<39x128xi32, #tpu.memory_space<vmem>> -> memref<1x128xi32, #tpu.memory_space<vmem>>
      %dma_start3A_52 = tpu.memref_squeeze %dma_start3A_51 : memref<1x128xi32, #tpu.memory_space<vmem>> -> memref<128xi32, #tpu.memory_space<vmem>>
      %dma_start3A_53 = arith.constant 0 : i32
      %dma_start3A_54 = arith.constant 0 : i32
      %dma_start3A_55 = tpu.memref_slice %arg9[%dma_start3A_53, %dma_start3A_54] : memref<10000x32xf32, #tpu.memory_space<vmem_shared>> -> memref<10000x32xf32, #tpu.memory_space<vmem_shared>>
      tpu.enqueue_indirect_dma source(%arg7 : memref<128x32xf32, #tpu.memory_space<vmem>>) target(%dma_start3A_55 : memref<10000x32xf32, #tpu.memory_space<vmem_shared>>) offsets(%dma_start3A_52 : memref<128xi32, #tpu.memory_space<vmem>>) semaphore(%run_scoped3A_49 : memref<!tpu.dma_semaphore, #tpu.memory_space<semaphore_mem>>) {add = true}
      %dma_wait3A_56 = arith.constant 0 : i32
      %dma_wait3A_57 = tpu.memref_slice %arg6[%run_scoped3A, %dma_wait3A_56] : memref<39x128xi32, #tpu.memory_space<vmem>> -> memref<1x128xi32, #tpu.memory_space<vmem>>
      %dma_wait3A_58 = tpu.memref_squeeze %dma_wait3A_57 : memref<1x128xi32, #tpu.memory_space<vmem>> -> memref<128xi32, #tpu.memory_space<vmem>>
      %dma_wait3A_59 = arith.constant 0 : i32
      %dma_wait3A_60 = arith.constant 0 : i32
      %dma_wait3A_61 = tpu.memref_slice %arg9[%dma_wait3A_59, %dma_wait3A_60] : memref<10000x32xf32, #tpu.memory_space<vmem_shared>> -> memref<10000x32xf32, #tpu.memory_space<vmem_shared>>
      tpu.wait_indirect_dma semaphore(%run_scoped3A_49 : memref<!tpu.dma_semaphore, #tpu.memory_space<semaphore_mem>>) src(%arg7 : memref<128x32xf32, #tpu.memory_space<vmem>>) dst(%dma_wait3A_61 : memref<10000x32xf32, #tpu.memory_space<vmem_shared>>)
      tpu.yield
    }) : () -> ()
    %lt3A = arith.constant 2 : i32
    %lt3A_36 = arith.cmpi slt, %add3A, %lt3A : i32
    %convert_element_type3A_37 = arith.extui %lt3A_36 : i1 to i32
    %cond3A_38 = arith.constant 0 : i32
    %cond3A_39 = arith.cmpi ne, %convert_element_type3A_37, %cond3A_38 : i32
    scf.if %cond3A_39 {
      %add3A_49 = arith.constant 1248 : i32
      %add3A_50 = arith.addi %add3A, %add3A_49 : i32
      %mul3A_51 = arith.constant 128 : i32
      %mul3A_52 = arith.muli %add3A_50, %mul3A_51 : i32
      %run_scoped3A_53 = arith.constant 0 : i32
      "tpu.region"() ({
        %run_scoped3A_59 = tpu.sem_alloc : memref<!tpu.dma_semaphore, #tpu.memory_space<semaphore_mem>>
        %dma_start3A_60 = arith.constant 0 : i32
        %dma_start3A_61 = tpu.memref_slice %arg6[%run_scoped3A_53, %dma_start3A_60] : memref<39x128xi32, #tpu.memory_space<vmem>> -> memref<1x128xi32, #tpu.memory_space<vmem>>
        %dma_start3A_62 = tpu.memref_squeeze %dma_start3A_61 : memref<1x128xi32, #tpu.memory_space<vmem>> -> memref<128xi32, #tpu.memory_space<vmem>>
        %dma_start3A_63 = tpu.memref_slice %arg3[%mul3A_52] : memref<160000xi32, #tpu.memory_space<hbm>> -> memref<128xi32, #tpu.memory_space<hbm>>
        %dma_start3A_64 = arith.constant 0 : i32
        %dma_start3A_65 = tpu.memref_slice %arg6[%run_scoped3A_53, %dma_start3A_64] : memref<39x128xi32, #tpu.memory_space<vmem>> -> memref<1x128xi32, #tpu.memory_space<vmem>>
        %dma_start3A_66 = tpu.memref_squeeze %dma_start3A_65 : memref<1x128xi32, #tpu.memory_space<vmem>> -> memref<128xi32, #tpu.memory_space<vmem>>
        %dma_start3A_67 = tpu.memref_slice %arg3[%mul3A_52] : memref<160000xi32, #tpu.memory_space<hbm>> -> memref<128xi32, #tpu.memory_space<hbm>>
        tpu.enqueue_dma source(%dma_start3A_67 : memref<128xi32, #tpu.memory_space<hbm>>) target(%dma_start3A_66 : memref<128xi32, #tpu.memory_space<vmem>>) target_semaphore(%run_scoped3A_59 : memref<!tpu.dma_semaphore, #tpu.memory_space<semaphore_mem>>)
        %dma_wait3A_68 = arith.constant 0 : i32
        %dma_wait3A_69 = tpu.memref_slice %arg6[%run_scoped3A_53, %dma_wait3A_68] : memref<39x128xi32, #tpu.memory_space<vmem>> -> memref<1x128xi32, #tpu.memory_space<vmem>>
        %dma_wait3A_70 = tpu.memref_squeeze %dma_wait3A_69 : memref<1x128xi32, #tpu.memory_space<vmem>> -> memref<128xi32, #tpu.memory_space<vmem>>
        %dma_wait3A_71 = tpu.memref_slice %arg3[%mul3A_52] : memref<160000xi32, #tpu.memory_space<hbm>> -> memref<128xi32, #tpu.memory_space<hbm>>
        %dma_wait3A_72 = arith.constant 0 : i32
        %dma_wait3A_73 = tpu.memref_slice %arg6[%run_scoped3A_53, %dma_wait3A_72] : memref<39x128xi32, #tpu.memory_space<vmem>> -> memref<1x128xi32, #tpu.memory_space<vmem>>
        %dma_wait3A_74 = tpu.memref_squeeze %dma_wait3A_73 : memref<1x128xi32, #tpu.memory_space<vmem>> -> memref<128xi32, #tpu.memory_space<vmem>>
        %dma_wait3A_75 = tpu.memref_slice %arg3[%mul3A_52] : memref<160000xi32, #tpu.memory_space<hbm>> -> memref<128xi32, #tpu.memory_space<hbm>>
        tpu.wait_dma2 semaphore(%run_scoped3A_59 : memref<!tpu.dma_semaphore, #tpu.memory_space<semaphore_mem>>) src(%dma_wait3A_75 : memref<128xi32, #tpu.memory_space<hbm>>) dst(%dma_wait3A_74 : memref<128xi32, #tpu.memory_space<vmem>>)
        tpu.yield
      }) : () -> ()
      %add3A_54 = arith.constant 1248 : i32
      %add3A_55 = arith.addi %add3A, %add3A_54 : i32
      %mul3A_56 = arith.constant 128 : i32
      %mul3A_57 = arith.muli %add3A_55, %mul3A_56 : i32
      "tpu.region"() ({
        %run_scoped3A_59 = tpu.sem_alloc : memref<!tpu.dma_semaphore, #tpu.memory_space<semaphore_mem>>
        %dma_start3A_60 = arith.constant 0 : i32
        %dma_start3A_61 = tpu.memref_slice %arg2[%mul3A_57, %dma_start3A_60] : memref<160000x32xf32, #tpu.memory_space<hbm>> -> memref<128x32xf32, #tpu.memory_space<hbm>>
        %dma_start3A_62 = arith.constant 0 : i32
        %dma_start3A_63 = tpu.memref_slice %arg2[%mul3A_57, %dma_start3A_62] : memref<160000x32xf32, #tpu.memory_space<hbm>> -> memref<128x32xf32, #tpu.memory_space<hbm>>
        tpu.enqueue_dma source(%dma_start3A_63 : memref<128x32xf32, #tpu.memory_space<hbm>>) target(%arg7 : memref<128x32xf32, #tpu.memory_space<vmem>>) target_semaphore(%run_scoped3A_59 : memref<!tpu.dma_semaphore, #tpu.memory_space<semaphore_mem>>)
        %dma_wait3A_64 = arith.constant 0 : i32
        %dma_wait3A_65 = tpu.memref_slice %arg2[%mul3A_57, %dma_wait3A_64] : memref<160000x32xf32, #tpu.memory_space<hbm>> -> memref<128x32xf32, #tpu.memory_space<hbm>>
        %dma_wait3A_66 = arith.constant 0 : i32
        %dma_wait3A_67 = tpu.memref_slice %arg2[%mul3A_57, %dma_wait3A_66] : memref<160000x32xf32, #tpu.memory_space<hbm>> -> memref<128x32xf32, #tpu.memory_space<hbm>>
        tpu.wait_dma2 semaphore(%run_scoped3A_59 : memref<!tpu.dma_semaphore, #tpu.memory_space<semaphore_mem>>) src(%dma_wait3A_67 : memref<128x32xf32, #tpu.memory_space<hbm>>) dst(%arg7 : memref<128x32xf32, #tpu.memory_space<vmem>>)
        tpu.yield
      }) : () -> ()
      %run_scoped3A_58 = arith.constant 0 : i32
      "tpu.region"() ({
        %run_scoped3A_59 = tpu.sem_alloc : memref<!tpu.dma_semaphore, #tpu.memory_space<semaphore_mem>>
        %dma_start3A_60 = arith.constant 0 : i32
        %dma_start3A_61 = tpu.memref_slice %arg6[%run_scoped3A_58, %dma_start3A_60] : memref<39x128xi32, #tpu.memory_space<vmem>> -> memref<1x128xi32, #tpu.memory_space<vmem>>
        %dma_start3A_62 = tpu.memref_squeeze %dma_start3A_61 : memref<1x128xi32, #tpu.memory_space<vmem>> -> memref<128xi32, #tpu.memory_space<vmem>>
        %dma_start3A_63 = arith.constant 0 : i32
        %dma_start3A_64 = arith.constant 0 : i32
        %dma_start3A_65 = tpu.memref_slice %arg9[%dma_start3A_63, %dma_start3A_64] : memref<10000x32xf32, #tpu.memory_space<vmem_shared>> -> memref<10000x32xf32, #tpu.memory_space<vmem_shared>>
        tpu.enqueue_indirect_dma source(%arg7 : memref<128x32xf32, #tpu.memory_space<vmem>>) target(%dma_start3A_65 : memref<10000x32xf32, #tpu.memory_space<vmem_shared>>) offsets(%dma_start3A_62 : memref<128xi32, #tpu.memory_space<vmem>>) semaphore(%run_scoped3A_59 : memref<!tpu.dma_semaphore, #tpu.memory_space<semaphore_mem>>) {add = true}
        %dma_wait3A_66 = arith.constant 0 : i32
        %dma_wait3A_67 = tpu.memref_slice %arg6[%run_scoped3A_58, %dma_wait3A_66] : memref<39x128xi32, #tpu.memory_space<vmem>> -> memref<1x128xi32, #tpu.memory_space<vmem>>
        %dma_wait3A_68 = tpu.memref_squeeze %dma_wait3A_67 : memref<1x128xi32, #tpu.memory_space<vmem>> -> memref<128xi32, #tpu.memory_space<vmem>>
        %dma_wait3A_69 = arith.constant 0 : i32
        %dma_wait3A_70 = arith.constant 0 : i32
        %dma_wait3A_71 = tpu.memref_slice %arg9[%dma_wait3A_69, %dma_wait3A_70] : memref<10000x32xf32, #tpu.memory_space<vmem_shared>> -> memref<10000x32xf32, #tpu.memory_space<vmem_shared>>
        tpu.wait_indirect_dma semaphore(%run_scoped3A_59 : memref<!tpu.dma_semaphore, #tpu.memory_space<semaphore_mem>>) src(%arg7 : memref<128x32xf32, #tpu.memory_space<vmem>>) dst(%dma_wait3A_71 : memref<10000x32xf32, #tpu.memory_space<vmem_shared>>)
        tpu.yield
      }) : () -> ()
    } else {
    }
    %barrier3A_40 = arith.constant 0 : index
    tpu.barrier barrier_id(%barrier3A_40)
    %mul3A_41 = arith.constant 10000 : i32
    %mul3A_42 = arith.muli %arg0, %mul3A_41 : i32
    %add3A_43 = arith.addi %mul3A_42, %mul3A_2 : i32
    "tpu.region"() ({
      %run_scoped3A_49 = tpu.sem_alloc : memref<!tpu.dma_semaphore, #tpu.memory_space<semaphore_mem>>
      %dma_start3A_50 = arith.constant 0 : i32
      %dma_start3A_51 = tpu.memref_slice %arg5[%add3A_43, %dma_start3A_50] : memref<20000x32xf32, #tpu.memory_space<hbm>> -> memref<624x32xf32, #tpu.memory_space<hbm>>
      %dma_start3A_52 = arith.constant 0 : i32
      %dma_start3A_53 = tpu.memref_slice %arg9[%mul3A_2, %dma_start3A_52] : memref<10000x32xf32, #tpu.memory_space<vmem_shared>> -> memref<624x32xf32, #tpu.memory_space<vmem_shared>>
      tpu.enqueue_dma source(%dma_start3A_53 : memref<624x32xf32, #tpu.memory_space<vmem_shared>>) target(%dma_start3A_51 : memref<624x32xf32, #tpu.memory_space<hbm>>) target_semaphore(%run_scoped3A_49 : memref<!tpu.dma_semaphore, #tpu.memory_space<semaphore_mem>>)
      %dma_wait3A_54 = arith.constant 0 : i32
      %dma_wait3A_55 = tpu.memref_slice %arg5[%add3A_43, %dma_wait3A_54] : memref<20000x32xf32, #tpu.memory_space<hbm>> -> memref<624x32xf32, #tpu.memory_space<hbm>>
      %dma_wait3A_56 = arith.constant 0 : i32
      %dma_wait3A_57 = tpu.memref_slice %arg9[%mul3A_2, %dma_wait3A_56] : memref<10000x32xf32, #tpu.memory_space<vmem_shared>> -> memref<624x32xf32, #tpu.memory_space<vmem_shared>>
      tpu.wait_dma2 semaphore(%run_scoped3A_49 : memref<!tpu.dma_semaphore, #tpu.memory_space<semaphore_mem>>) src(%dma_wait3A_57 : memref<624x32xf32, #tpu.memory_space<vmem_shared>>) dst(%dma_wait3A_55 : memref<624x32xf32, #tpu.memory_space<hbm>>)
      tpu.yield
    }) : () -> ()
    %eq3A_44 = arith.constant 0 : i32
    %eq3A_45 = arith.cmpi eq, %arg1, %eq3A_44 : i32
    %convert_element_type3A_46 = arith.extui %eq3A_45 : i1 to i32
    %cond3A_47 = arith.constant 0 : i32
    %cond3A_48 = arith.cmpi ne, %convert_element_type3A_46, %cond3A_47 : i32
    scf.if %cond3A_48 {
      %mul3A_49 = arith.constant 10000 : i32
      %mul3A_50 = arith.muli %arg0, %mul3A_49 : i32
      %add3A_51 = arith.constant 9984 : i32
      %add3A_52 = arith.addi %mul3A_50, %add3A_51 : i32
      "tpu.region"() ({
        %run_scoped3A_53 = tpu.sem_alloc : memref<!tpu.dma_semaphore, #tpu.memory_space<semaphore_mem>>
        %dma_start3A_54 = arith.constant 0 : i32
        %dma_start3A_55 = tpu.memref_slice %arg5[%add3A_52, %dma_start3A_54] : memref<20000x32xf32, #tpu.memory_space<hbm>> -> memref<16x32xf32, #tpu.memory_space<hbm>>
        %dma_start3A_56 = arith.constant 9984 : i32
        %dma_start3A_57 = arith.constant 0 : i32
        %dma_start3A_58 = tpu.memref_slice %arg9[%dma_start3A_56, %dma_start3A_57] : memref<10000x32xf32, #tpu.memory_space<vmem_shared>> -> memref<16x32xf32, #tpu.memory_space<vmem_shared>>
        tpu.enqueue_dma source(%dma_start3A_58 : memref<16x32xf32, #tpu.memory_space<vmem_shared>>) target(%dma_start3A_55 : memref<16x32xf32, #tpu.memory_space<hbm>>) target_semaphore(%run_scoped3A_53 : memref<!tpu.dma_semaphore, #tpu.memory_space<semaphore_mem>>)
        %dma_wait3A_59 = arith.constant 0 : i32
        %dma_wait3A_60 = tpu.memref_slice %arg5[%add3A_52, %dma_wait3A_59] : memref<20000x32xf32, #tpu.memory_space<hbm>> -> memref<16x32xf32, #tpu.memory_space<hbm>>
        %dma_wait3A_61 = arith.constant 9984 : i32
        %dma_wait3A_62 = arith.constant 0 : i32
        %dma_wait3A_63 = tpu.memref_slice %arg9[%dma_wait3A_61, %dma_wait3A_62] : memref<10000x32xf32, #tpu.memory_space<vmem_shared>> -> memref<16x32xf32, #tpu.memory_space<vmem_shared>>
        tpu.wait_dma2 semaphore(%run_scoped3A_53 : memref<!tpu.dma_semaphore, #tpu.memory_space<semaphore_mem>>) src(%dma_wait3A_63 : memref<16x32xf32, #tpu.memory_space<vmem_shared>>) dst(%dma_wait3A_60 : memref<16x32xf32, #tpu.memory_space<hbm>>)
        tpu.yield
      }) : () -> ()
    } else {
    }
    return
  }
}

module attributes {stable_mosaic.version = 14 : i64} {
  func.func @_msg_body(%arg0: i32, %arg1: memref<1000x64xf32, #tpu.memory_space<vmem>>, %arg2: memref<1000x128xf32, #tpu.memory_space<vmem>>, %arg3: memref<64x256xf32, #tpu.memory_space<vmem>>, %arg4: memref<1x256xf32, #tpu.memory_space<vmem>>, %arg5: memref<256x4096xbf16, #tpu.memory_space<vmem>>, %arg6: memref<1x4096xf32, #tpu.memory_space<vmem>>, %arg7: memref<128x4096xbf16, #tpu.memory_space<vmem>>, %arg8: memref<1000x128xf32, #tpu.memory_space<vmem>>) attributes {dimension_semantics = [#tpu.dimension_semantics<arbitrary>], iteration_bounds = array<i64: 40>, scalar_prefetch = 0 : i64, scratch_operands = 0 : i64, tpu.core_type = #tpu.core_type<tc>, window_params = [{transform_indices = @transform_0, window_bounds = array<i64: 1000, 64>}, {transform_indices = @transform_1, window_bounds = array<i64: 1000, 128>}, {pipeline_mode = #tpu.pipeline_mode<synchronous>, transform_indices = @transform_2, window_bounds = array<i64: 64, 256>}, {pipeline_mode = #tpu.pipeline_mode<synchronous>, transform_indices = @transform_3, window_bounds = array<i64: 1, 256>}, {pipeline_mode = #tpu.pipeline_mode<synchronous>, transform_indices = @transform_4, window_bounds = array<i64: 256, 4096>}, {pipeline_mode = #tpu.pipeline_mode<synchronous>, transform_indices = @transform_5, window_bounds = array<i64: 1, 4096>}, {pipeline_mode = #tpu.pipeline_mode<synchronous>, transform_indices = @transform_6, window_bounds = array<i64: 128, 4096>}, {transform_indices = @transform_7, window_bounds = array<i64: 1000, 128>}]} {
    %get3A = arith.constant 0 : index
    %get3A_0 = arith.constant 0 : index
    %get3A_1 = vector.load %arg1[%get3A, %get3A_0] : memref<1000x64xf32, #tpu.memory_space<vmem>>, vector<1000x64xf32>
    %get3A_2 = arith.constant 0 : index
    %get3A_3 = arith.constant 0 : index
    %get3A_4 = vector.load %arg3[%get3A_2, %get3A_3] : memref<64x256xf32, #tpu.memory_space<vmem>>, vector<64x256xf32>
    %dot_general3A = arith.constant dense<0.000000e+00> : vector<1000x256xf32>
    %dot_general3A_5 = tpu.matmul %get3A_1, %get3A_4, %dot_general3A {dimension_numbers = #tpu.dot_dimension_numbers<[1], [0], [0], [1], [0, 0, 1, 1], [], []>, transpose_lhs_hint = false} : vector<1000x64xf32>, vector<64x256xf32>, vector<1000x256xf32> -> vector<1000x256xf32>
    %get3A_6 = arith.constant 0 : index
    %get3A_7 = arith.constant 0 : index
    %get3A_8 = vector.load %arg4[%get3A_6, %get3A_7] : memref<1x256xf32, #tpu.memory_space<vmem>>, vector<1x256xf32>
    %add3A = vector.broadcast %get3A_8 : vector<1x256xf32> to vector<1000x256xf32>
    %add3A_9 = arith.addf %dot_general3A_5, %add3A : vector<1000x256xf32>
    %max3A = arith.constant 0.000000e+00 : f32
    %max3A_10 = vector.broadcast %max3A : f32 to vector<1000x256xf32>
    %max3A_11 = arith.maximumf %add3A_9, %max3A_10 : vector<1000x256xf32>
    %convert_element_type3A = arith.truncf %max3A_11 : vector<1000x256xf32> to vector<1000x256xbf16>
    %get3A_12 = arith.constant 0 : index
    %get3A_13 = arith.constant 0 : index
    %get3A_14 = vector.load %arg5[%get3A_12, %get3A_13] : memref<256x4096xbf16, #tpu.memory_space<vmem>>, vector<256x4096xbf16>
    %dot_general3A_15 = arith.constant dense<0.000000e+00> : vector<1000x4096xf32>
    %dot_general3A_16 = tpu.matmul %convert_element_type3A, %get3A_14, %dot_general3A_15 {dimension_numbers = #tpu.dot_dimension_numbers<[1], [0], [0], [1], [0, 0, 1, 1], [], []>, transpose_lhs_hint = false} : vector<1000x256xbf16>, vector<256x4096xbf16>, vector<1000x4096xf32> -> vector<1000x4096xf32>
    %get3A_17 = arith.constant 0 : index
    %get3A_18 = arith.constant 0 : index
    %get3A_19 = vector.load %arg6[%get3A_17, %get3A_18] : memref<1x4096xf32, #tpu.memory_space<vmem>>, vector<1x4096xf32>
    %add3A_20 = vector.broadcast %get3A_19 : vector<1x4096xf32> to vector<1000x4096xf32>
    %add3A_21 = arith.addf %dot_general3A_16, %add3A_20 : vector<1000x4096xf32>
    %get3A_22 = arith.constant 0 : index
    %get3A_23 = arith.constant 0 : index
    %get3A_24 = vector.load %arg2[%get3A_22, %get3A_23] : memref<1000x128xf32, #tpu.memory_space<vmem>>, vector<1000x128xf32>
    %convert_element_type3A_25 = arith.truncf %get3A_24 : vector<1000x128xf32> to vector<1000x128xbf16>
    %get3A_26 = arith.constant 0 : index
    %get3A_27 = arith.constant 0 : index
    %get3A_28 = vector.load %arg7[%get3A_26, %get3A_27] : memref<128x4096xbf16, #tpu.memory_space<vmem>>, vector<128x4096xbf16>
    %dot_general3A_29 = arith.constant dense<0.000000e+00> : vector<1000x4096xf32>
    %dot_general3A_30 = tpu.matmul %convert_element_type3A_25, %get3A_28, %dot_general3A_29 {dimension_numbers = #tpu.dot_dimension_numbers<[1], [0], [0], [1], [0, 0, 1, 1], [], []>, transpose_lhs_hint = false} : vector<1000x128xbf16>, vector<128x4096xbf16>, vector<1000x4096xf32> -> vector<1000x4096xf32>
    %mul3A = arith.mulf %add3A_21, %dot_general3A_30 : vector<1000x4096xf32>
    %slice3A = vector.extract_strided_slice %mul3A {offsets = [0, 0], sizes = [1000, 1024], strides = [1, 1]} : vector<1000x4096xf32> to vector<1000x1024xf32>
    %slice3A_31 = vector.extract_strided_slice %slice3A {offsets = [0, 0], sizes = [1000, 512], strides = [1, 1]} : vector<1000x1024xf32> to vector<1000x512xf32>
    %slice3A_32 = vector.extract_strided_slice %slice3A {offsets = [0, 512], sizes = [1000, 512], strides = [1, 1]} : vector<1000x1024xf32> to vector<1000x512xf32>
    %add3A_33 = arith.addf %slice3A_31, %slice3A_32 : vector<1000x512xf32>
    %slice3A_34 = vector.extract_strided_slice %add3A_33 {offsets = [0, 0], sizes = [1000, 256], strides = [1, 1]} : vector<1000x512xf32> to vector<1000x256xf32>
    %slice3A_35 = vector.extract_strided_slice %add3A_33 {offsets = [0, 256], sizes = [1000, 256], strides = [1, 1]} : vector<1000x512xf32> to vector<1000x256xf32>
    %add3A_36 = arith.addf %slice3A_34, %slice3A_35 : vector<1000x256xf32>
    %slice3A_37 = vector.extract_strided_slice %add3A_36 {offsets = [0, 0], sizes = [1000, 128], strides = [1, 1]} : vector<1000x256xf32> to vector<1000x128xf32>
    %slice3A_38 = vector.extract_strided_slice %add3A_36 {offsets = [0, 128], sizes = [1000, 128], strides = [1, 1]} : vector<1000x256xf32> to vector<1000x128xf32>
    %add3A_39 = arith.addf %slice3A_37, %slice3A_38 : vector<1000x128xf32>
    %slice3A_40 = vector.extract_strided_slice %add3A_39 {offsets = [0, 0], sizes = [1000, 64], strides = [1, 1]} : vector<1000x128xf32> to vector<1000x64xf32>
    %slice3A_41 = vector.extract_strided_slice %add3A_39 {offsets = [0, 64], sizes = [1000, 64], strides = [1, 1]} : vector<1000x128xf32> to vector<1000x64xf32>
    %add3A_42 = arith.addf %slice3A_40, %slice3A_41 : vector<1000x64xf32>
    %slice3A_43 = vector.extract_strided_slice %add3A_42 {offsets = [0, 0], sizes = [1000, 32], strides = [1, 1]} : vector<1000x64xf32> to vector<1000x32xf32>
    %slice3A_44 = vector.extract_strided_slice %add3A_42 {offsets = [0, 32], sizes = [1000, 32], strides = [1, 1]} : vector<1000x64xf32> to vector<1000x32xf32>
    %add3A_45 = arith.addf %slice3A_43, %slice3A_44 : vector<1000x32xf32>
    %slice3A_46 = vector.extract_strided_slice %mul3A {offsets = [0, 1024], sizes = [1000, 1024], strides = [1, 1]} : vector<1000x4096xf32> to vector<1000x1024xf32>
    %slice3A_47 = vector.extract_strided_slice %slice3A_46 {offsets = [0, 0], sizes = [1000, 512], strides = [1, 1]} : vector<1000x1024xf32> to vector<1000x512xf32>
    %slice3A_48 = vector.extract_strided_slice %slice3A_46 {offsets = [0, 512], sizes = [1000, 512], strides = [1, 1]} : vector<1000x1024xf32> to vector<1000x512xf32>
    %add3A_49 = arith.addf %slice3A_47, %slice3A_48 : vector<1000x512xf32>
    %slice3A_50 = vector.extract_strided_slice %add3A_49 {offsets = [0, 0], sizes = [1000, 256], strides = [1, 1]} : vector<1000x512xf32> to vector<1000x256xf32>
    %slice3A_51 = vector.extract_strided_slice %add3A_49 {offsets = [0, 256], sizes = [1000, 256], strides = [1, 1]} : vector<1000x512xf32> to vector<1000x256xf32>
    %add3A_52 = arith.addf %slice3A_50, %slice3A_51 : vector<1000x256xf32>
    %slice3A_53 = vector.extract_strided_slice %add3A_52 {offsets = [0, 0], sizes = [1000, 128], strides = [1, 1]} : vector<1000x256xf32> to vector<1000x128xf32>
    %slice3A_54 = vector.extract_strided_slice %add3A_52 {offsets = [0, 128], sizes = [1000, 128], strides = [1, 1]} : vector<1000x256xf32> to vector<1000x128xf32>
    %add3A_55 = arith.addf %slice3A_53, %slice3A_54 : vector<1000x128xf32>
    %slice3A_56 = vector.extract_strided_slice %add3A_55 {offsets = [0, 0], sizes = [1000, 64], strides = [1, 1]} : vector<1000x128xf32> to vector<1000x64xf32>
    %slice3A_57 = vector.extract_strided_slice %add3A_55 {offsets = [0, 64], sizes = [1000, 64], strides = [1, 1]} : vector<1000x128xf32> to vector<1000x64xf32>
    %add3A_58 = arith.addf %slice3A_56, %slice3A_57 : vector<1000x64xf32>
    %slice3A_59 = vector.extract_strided_slice %add3A_58 {offsets = [0, 0], sizes = [1000, 32], strides = [1, 1]} : vector<1000x64xf32> to vector<1000x32xf32>
    %slice3A_60 = vector.extract_strided_slice %add3A_58 {offsets = [0, 32], sizes = [1000, 32], strides = [1, 1]} : vector<1000x64xf32> to vector<1000x32xf32>
    %add3A_61 = arith.addf %slice3A_59, %slice3A_60 : vector<1000x32xf32>
    %slice3A_62 = vector.extract_strided_slice %mul3A {offsets = [0, 2048], sizes = [1000, 1024], strides = [1, 1]} : vector<1000x4096xf32> to vector<1000x1024xf32>
    %slice3A_63 = vector.extract_strided_slice %slice3A_62 {offsets = [0, 0], sizes = [1000, 512], strides = [1, 1]} : vector<1000x1024xf32> to vector<1000x512xf32>
    %slice3A_64 = vector.extract_strided_slice %slice3A_62 {offsets = [0, 512], sizes = [1000, 512], strides = [1, 1]} : vector<1000x1024xf32> to vector<1000x512xf32>
    %add3A_65 = arith.addf %slice3A_63, %slice3A_64 : vector<1000x512xf32>
    %slice3A_66 = vector.extract_strided_slice %add3A_65 {offsets = [0, 0], sizes = [1000, 256], strides = [1, 1]} : vector<1000x512xf32> to vector<1000x256xf32>
    %slice3A_67 = vector.extract_strided_slice %add3A_65 {offsets = [0, 256], sizes = [1000, 256], strides = [1, 1]} : vector<1000x512xf32> to vector<1000x256xf32>
    %add3A_68 = arith.addf %slice3A_66, %slice3A_67 : vector<1000x256xf32>
    %slice3A_69 = vector.extract_strided_slice %add3A_68 {offsets = [0, 0], sizes = [1000, 128], strides = [1, 1]} : vector<1000x256xf32> to vector<1000x128xf32>
    %slice3A_70 = vector.extract_strided_slice %add3A_68 {offsets = [0, 128], sizes = [1000, 128], strides = [1, 1]} : vector<1000x256xf32> to vector<1000x128xf32>
    %add3A_71 = arith.addf %slice3A_69, %slice3A_70 : vector<1000x128xf32>
    %slice3A_72 = vector.extract_strided_slice %add3A_71 {offsets = [0, 0], sizes = [1000, 64], strides = [1, 1]} : vector<1000x128xf32> to vector<1000x64xf32>
    %slice3A_73 = vector.extract_strided_slice %add3A_71 {offsets = [0, 64], sizes = [1000, 64], strides = [1, 1]} : vector<1000x128xf32> to vector<1000x64xf32>
    %add3A_74 = arith.addf %slice3A_72, %slice3A_73 : vector<1000x64xf32>
    %slice3A_75 = vector.extract_strided_slice %add3A_74 {offsets = [0, 0], sizes = [1000, 32], strides = [1, 1]} : vector<1000x64xf32> to vector<1000x32xf32>
    %slice3A_76 = vector.extract_strided_slice %add3A_74 {offsets = [0, 32], sizes = [1000, 32], strides = [1, 1]} : vector<1000x64xf32> to vector<1000x32xf32>
    %add3A_77 = arith.addf %slice3A_75, %slice3A_76 : vector<1000x32xf32>
    %slice3A_78 = vector.extract_strided_slice %mul3A {offsets = [0, 3072], sizes = [1000, 1024], strides = [1, 1]} : vector<1000x4096xf32> to vector<1000x1024xf32>
    %slice3A_79 = vector.extract_strided_slice %slice3A_78 {offsets = [0, 0], sizes = [1000, 512], strides = [1, 1]} : vector<1000x1024xf32> to vector<1000x512xf32>
    %slice3A_80 = vector.extract_strided_slice %slice3A_78 {offsets = [0, 512], sizes = [1000, 512], strides = [1, 1]} : vector<1000x1024xf32> to vector<1000x512xf32>
    %add3A_81 = arith.addf %slice3A_79, %slice3A_80 : vector<1000x512xf32>
    %slice3A_82 = vector.extract_strided_slice %add3A_81 {offsets = [0, 0], sizes = [1000, 256], strides = [1, 1]} : vector<1000x512xf32> to vector<1000x256xf32>
    %slice3A_83 = vector.extract_strided_slice %add3A_81 {offsets = [0, 256], sizes = [1000, 256], strides = [1, 1]} : vector<1000x512xf32> to vector<1000x256xf32>
    %add3A_84 = arith.addf %slice3A_82, %slice3A_83 : vector<1000x256xf32>
    %slice3A_85 = vector.extract_strided_slice %add3A_84 {offsets = [0, 0], sizes = [1000, 128], strides = [1, 1]} : vector<1000x256xf32> to vector<1000x128xf32>
    %slice3A_86 = vector.extract_strided_slice %add3A_84 {offsets = [0, 128], sizes = [1000, 128], strides = [1, 1]} : vector<1000x256xf32> to vector<1000x128xf32>
    %add3A_87 = arith.addf %slice3A_85, %slice3A_86 : vector<1000x128xf32>
    %slice3A_88 = vector.extract_strided_slice %add3A_87 {offsets = [0, 0], sizes = [1000, 64], strides = [1, 1]} : vector<1000x128xf32> to vector<1000x64xf32>
    %slice3A_89 = vector.extract_strided_slice %add3A_87 {offsets = [0, 64], sizes = [1000, 64], strides = [1, 1]} : vector<1000x128xf32> to vector<1000x64xf32>
    %add3A_90 = arith.addf %slice3A_88, %slice3A_89 : vector<1000x64xf32>
    %slice3A_91 = vector.extract_strided_slice %add3A_90 {offsets = [0, 0], sizes = [1000, 32], strides = [1, 1]} : vector<1000x64xf32> to vector<1000x32xf32>
    %slice3A_92 = vector.extract_strided_slice %add3A_90 {offsets = [0, 32], sizes = [1000, 32], strides = [1, 1]} : vector<1000x64xf32> to vector<1000x32xf32>
    %add3A_93 = arith.addf %slice3A_91, %slice3A_92 : vector<1000x32xf32>
    %concatenate3A = tpu.concatenate %add3A_45, %add3A_61, %add3A_77, %add3A_93 in 1 : vector<1000x32xf32>, vector<1000x32xf32>, vector<1000x32xf32>, vector<1000x32xf32> -> vector<1000x128xf32>
    %swap3A = arith.constant 0 : index
    %swap3A_94 = arith.constant 0 : index
    %swap3A_95 = vector.load %arg8[%swap3A, %swap3A_94] : memref<1000x128xf32, #tpu.memory_space<vmem>>, vector<1000x128xf32>
    tpu.vector_store %arg8[%swap3A, %swap3A_94], %concatenate3A {strides = array<i32>} : memref<1000x128xf32, #tpu.memory_space<vmem>>, vector<1000x128xf32>,
    return
  }
  func.func @transform_0(%arg0: i32) -> (i32, i32) {
    %c0_i32 = arith.constant 0 : i32
    %c0_i32_0 = arith.constant 0 : i32
    return %arg0, %c0_i32 : i32, i32
  }
  func.func @transform_1(%arg0: i32) -> (i32, i32) {
    %c0_i32 = arith.constant 0 : i32
    %c0_i32_0 = arith.constant 0 : i32
    return %arg0, %c0_i32 : i32, i32
  }
  func.func @transform_2(%arg0: i32) -> (i32, i32) {
    %c0_i32 = arith.constant 0 : i32
    %c0_i32_0 = arith.constant 0 : i32
    %c0_i32_1 = arith.constant 0 : i32
    return %c0_i32, %c0_i32_0 : i32, i32
  }
  func.func @transform_3(%arg0: i32) -> (i32, i32) {
    %c0_i32 = arith.constant 0 : i32
    %c0_i32_0 = arith.constant 0 : i32
    %c0_i32_1 = arith.constant 0 : i32
    return %c0_i32, %c0_i32_0 : i32, i32
  }
  func.func @transform_4(%arg0: i32) -> (i32, i32) {
    %c0_i32 = arith.constant 0 : i32
    %c0_i32_0 = arith.constant 0 : i32
    %c0_i32_1 = arith.constant 0 : i32
    return %c0_i32, %c0_i32_0 : i32, i32
  }
  func.func @transform_5(%arg0: i32) -> (i32, i32) {
    %c0_i32 = arith.constant 0 : i32
    %c0_i32_0 = arith.constant 0 : i32
    %c0_i32_1 = arith.constant 0 : i32
    return %c0_i32, %c0_i32_0 : i32, i32
  }
  func.func @transform_6(%arg0: i32) -> (i32, i32) {
    %c0_i32 = arith.constant 0 : i32
    %c0_i32_0 = arith.constant 0 : i32
    %c0_i32_1 = arith.constant 0 : i32
    return %c0_i32, %c0_i32_0 : i32, i32
  }
  func.func @transform_7(%arg0: i32) -> (i32, i32) {
    %c0_i32 = arith.constant 0 : i32
    %c0_i32_0 = arith.constant 0 : i32
    return %arg0, %c0_i32 : i32, i32
  }
}

module attributes {stable_mosaic.version = 14 : i64} {
  func.func @_fin_body(%arg0: i32, %arg1: memref<1000x32xf32, #tpu.memory_space<vmem>>, %arg2: memref<1000x32xf32, #tpu.memory_space<vmem>>, %arg3: memref<1000x32xf32, #tpu.memory_space<vmem>>, %arg4: memref<32x32xf32, #tpu.memory_space<vmem>>, %arg5: memref<1x32xf32, #tpu.memory_space<vmem>>, %arg6: memref<1000x32xf32, #tpu.memory_space<vmem>>) attributes {dimension_semantics = [#tpu.dimension_semantics<arbitrary>], iteration_bounds = array<i64: 10>, scalar_prefetch = 0 : i64, scratch_operands = 0 : i64, tpu.core_type = #tpu.core_type<tc>, window_params = [{transform_indices = @transform_0, window_bounds = array<i64: 1000, 32>}, {transform_indices = @transform_1, window_bounds = array<i64: 1000, 32>}, {transform_indices = @transform_2, window_bounds = array<i64: 1000, 32>}, {pipeline_mode = #tpu.pipeline_mode<synchronous>, transform_indices = @transform_3, window_bounds = array<i64: 32, 32>}, {pipeline_mode = #tpu.pipeline_mode<synchronous>, transform_indices = @transform_4, window_bounds = array<i64: 1, 32>}, {transform_indices = @transform_5, window_bounds = array<i64: 1000, 32>}]} {
    %get3A = arith.constant 0 : index
    %get3A_0 = arith.constant 0 : index
    %get3A_1 = vector.load %arg3[%get3A, %get3A_0] : memref<1000x32xf32, #tpu.memory_space<vmem>>, vector<1000x32xf32>
    %get3A_2 = arith.constant 0 : index
    %get3A_3 = arith.constant 0 : index
    %get3A_4 = vector.load %arg4[%get3A_2, %get3A_3] : memref<32x32xf32, #tpu.memory_space<vmem>>, vector<32x32xf32>
    %dot_general3A = arith.constant dense<0.000000e+00> : vector<1000x32xf32>
    %dot_general3A_5 = tpu.matmul %get3A_1, %get3A_4, %dot_general3A {dimension_numbers = #tpu.dot_dimension_numbers<[1], [0], [0], [1], [0, 0, 1, 1], [], []>, transpose_lhs_hint = false} : vector<1000x32xf32>, vector<32x32xf32>, vector<1000x32xf32> -> vector<1000x32xf32>
    %get3A_6 = arith.constant 0 : index
    %get3A_7 = arith.constant 0 : index
    %get3A_8 = vector.load %arg1[%get3A_6, %get3A_7] : memref<1000x32xf32, #tpu.memory_space<vmem>>, vector<1000x32xf32>
    %get3A_9 = arith.constant 0 : index
    %get3A_10 = arith.constant 0 : index
    %get3A_11 = vector.load %arg2[%get3A_9, %get3A_10] : memref<1000x32xf32, #tpu.memory_space<vmem>>, vector<1000x32xf32>
    %add3A = arith.addf %get3A_8, %get3A_11 : vector<1000x32xf32>
    %add3A_12 = arith.addf %add3A, %dot_general3A_5 : vector<1000x32xf32>
    %get3A_13 = arith.constant 0 : index
    %get3A_14 = arith.constant 0 : index
    %get3A_15 = vector.load %arg5[%get3A_13, %get3A_14] : memref<1x32xf32, #tpu.memory_space<vmem>>, vector<1x32xf32>
    %add3A_16 = vector.broadcast %get3A_15 : vector<1x32xf32> to vector<1000x32xf32>
    %add3A_17 = arith.addf %add3A_12, %add3A_16 : vector<1000x32xf32>
    %max3A = arith.constant 0.000000e+00 : f32
    %max3A_18 = vector.broadcast %max3A : f32 to vector<1000x32xf32>
    %max3A_19 = arith.maximumf %add3A_17, %max3A_18 : vector<1000x32xf32>
    %swap3A = arith.constant 0 : index
    %swap3A_20 = arith.constant 0 : index
    %swap3A_21 = vector.load %arg6[%swap3A, %swap3A_20] : memref<1000x32xf32, #tpu.memory_space<vmem>>, vector<1000x32xf32>
    tpu.vector_store %arg6[%swap3A, %swap3A_20], %max3A_19 {strides = array<i32>} : memref<1000x32xf32, #tpu.memory_space<vmem>>, vector<1000x32xf32>,
    return
  }
  func.func @transform_0(%arg0: i32) -> (i32, i32) {
    %c0_i32 = arith.constant 0 : i32
    %c0_i32_0 = arith.constant 0 : i32
    return %arg0, %c0_i32 : i32, i32
  }
  func.func @transform_1(%arg0: i32) -> (i32, i32) {
    %add3A = arith.constant 10 : i32
    %add3A_0 = arith.addi %arg0, %add3A : i32
    %c0_i32 = arith.constant 0 : i32
    %c0_i32_1 = arith.constant 0 : i32
    return %add3A_0, %c0_i32 : i32, i32
  }
  func.func @transform_2(%arg0: i32) -> (i32, i32) {
    %c0_i32 = arith.constant 0 : i32
    %c0_i32_0 = arith.constant 0 : i32
    return %arg0, %c0_i32 : i32, i32
  }
  func.func @transform_3(%arg0: i32) -> (i32, i32) {
    %c0_i32 = arith.constant 0 : i32
    %c0_i32_0 = arith.constant 0 : i32
    %c0_i32_1 = arith.constant 0 : i32
    return %c0_i32, %c0_i32_0 : i32, i32
  }
  func.func @transform_4(%arg0: i32) -> (i32, i32) {
    %c0_i32 = arith.constant 0 : i32
    %c0_i32_0 = arith.constant 0 : i32
    %c0_i32_1 = arith.constant 0 : i32
    return %c0_i32, %c0_i32_0 : i32, i32
  }
  func.func @transform_5(%arg0: i32) -> (i32, i32) {
    %c0_i32 = arith.constant 0 : i32
    %c0_i32_0 = arith.constant 0 : i32
    return %arg0, %c0_i32 : i32, i32
  }
}

</mosaic_0001>

<sc_bundles>
// kernel: kernel.6.cloned.1.call-start
scs
__scs_entry_jumppad:
0x0: {  	(pc) =	sbr.rel $0x88, $3  }
0x1: {  	(tag) =	ssettag $0x0;
	lr =	simm.s32 $0x1  }
0x2: {  	[smem:$0x3F98] =	sst lr;
	_ =	strace $0xD0000000  }
0x3: {  	_ = 	snop  }
0x4: {  	_ = 	snop  }
0x5: {  	_ = 	snop  }
0x6: {  	_ = 	snop  }
0x7: {  	_ = 	snop  }
__scs_overlays_trampoline_lowered:
0x8: {  	[smem:$0x3FA7] =	sst s0  }
0x9: {  	[smem:$0x3FA8] =	sst s1  }
0xa: {  	[smem:$0x3FA9] =	sst s2  }
0xb: {  	[smem:$0x3FAA] =	sst s3  }
0xc: {  	[smem:$0x3FAB] =	sst s4  }
0xd: {  	[smem:$0x3FAC] =	sst s5  }
0xe: {  	[smem:$0x3FAD] =	sst s6  }
0xf: {  	[smem:$0x3FAE] =	sst s7  }
0x10: {  	[smem:$0x3FAF] =	sst s8  }
0x11: {  	[smem:$0x3FB0] =	sst s9;
	s0 =	simm.s32 @!p0 $0x0  }
0x12: {  	s1 =	sld [smem:$0x3F96];
	s0 =	simm.s32 @p0 $0x1  }
0x13: {  	[smem:$0x3FB1] =	sst s0;
	s0 =	simm.s32 @!p1 $0x0  }
0x14: {  	s2 =	sld [smem:$0x3F95];
	s0 =	simm.s32 @p1 $0x1  }
0x15: {  	[smem:$0x3FB2] =	sst s0;
	s0 =	simm.s32 @!p2 $0x0  }
0x16: {  	s3 =	sld [smem:$0x3FDB];
	s0 =	simm.s32 @p2 $0x1  }
0x17: {  	s4 =	simm.s32 $0x1BF5;
	[smem:$0x3FB4] =	sst s0  }
0x18: {  	s0 =	sld [smem:$0x3F97];
	_ =	swait.ge [sflag:s4], $0x0  }
0x19: {  	s7 =	sld [smem:$0x3F98]  }
0x1a: {  	s8 =	sadd.s32 $0xFFFFE003, lr  }
0x1b: {  	s9 =	sadd.s32 $0xFFFFFEF7, lr;
	s5 =	simm.s32 $0xFFFFFFFF;
	p2 =	slt.u32 s8, $0xFFFFF086  }
0x1c: {  	p1 =	slt.u32 s9, $0xF7A;
	s5 =	simm.s32 @!p2 $0x0  }
0x1d: {  	s5 =	simm.s32 @p1 $0x1;
	p0 =	seq.s32 s7, s2  }
0x1e: {  	s7 =	smul.u32 @!p0 $0xF7A, s2;
	p2 =	seq.s32 @!p0 s5, $0x0  }
0x1f: {  	s9 =	smul.u32 $0xF7A, s1;
	s8 =	simm.s32 @!p0 $0x1BF5;
	p2 =	por !p2, p0  }
0x20: {  	[sflag:s8] =	ssyncset.s32 @!p0 $0xFFFFF086;
	s6 =	sadd.s32 @!p0 s3, s7;
	s7 =	simm.s32 @!p0 $0x108  }
0x21: {  	s3 =	sadd.s32 s3, s9;
	s6 =	sadd.s32 @!p0 $0x88, s6;
	s7 =	simm.s32 @p2 $0x1082  }
0x22: {  	[simem:s7], [sflag:s8] =	dma.local @!p0 [hbm:s6], $0xF7A  }
0x23: {  	s9 =	sor.u32 $0xD0000000, s2;
	s6 =	simm.s32 $0x108;
	_ =	swait.ge @!p0 [sflag:s8], $0x0  }
0x24: {  	s3 =	sadd.s32 $0x88, s3;
	s6 =	simm.s32 @!p1 $0x1082;
	[sflag:s4] =	ssyncset.s32 $0xFFFFF086  }
0x25: {  	[simem:s6], [sflag:s4] =	dma.local [hbm:s3], $0xF7A  }
0x26: {  	[smem:$0x3F98] =	sst s1;
	(tag) =	ssettag s2;
	_ =	strace s9  }
0x27: {  	s1 =	sld [smem:$0x3FA8]  }
0x28: {  	s2 =	sld [smem:$0x3FA9]  }
0x29: {  	s4 =	sld [smem:$0x3FAB]  }
0x2a: {  	p0 =	seq.s32 s5, $0x0;
	s5 =	sld [smem:$0x3FAC]  }
0x2b: {  	s6 =	sld [smem:$0x3FAD]  }
0x2c: {  	s7 =	sld [smem:$0x3FAE]  }
0x2d: {  	s3 =	simm.s32 $0x108;
	s8 =	sld [smem:$0x3FAF]  }
0x2e: {  	s3 =	simm.s32 @!p0 $0x1082;
	s9 =	sld [smem:$0x3FB0]  }
0x2f: {  	lr =	sadd.s32 s0, s3;
	s0 =	sld [smem:$0x3FA7]  }
0x30: {  	s3 =	sld [smem:$0x3FAA]  }
0x31: {  	[smem:$0x3FB3] =	sst s10  }
0x32: {  	s10 =	sld [smem:$0x3FB1];
	_ =	sdelay $0x3  }
0x33: {  	p0 =	seq.s32 s10, $0x1;
	s10 =	sld [smem:$0x3FB3];
	_ =	sdelay $0x3  }
0x34: {  	[smem:$0x3FB3] =	sst s10  }
0x35: {  	s10 =	sld [smem:$0x3FB2];
	_ =	sdelay $0x3  }
0x36: {  	p1 =	seq.s32 s10, $0x1;
	s10 =	sld [smem:$0x3FB3];
	_ =	sdelay $0x3  }
0x37: {  	[smem:$0x3FB3] =	sst s10  }
0x38: {  	s10 =	sld [smem:$0x3FB4]  }
0x39: {  	_ = 	snop;
	(pc) =	sbr.ind lr, $3  }
0x3a: {  	_ = 	snop  }
0x3b: {  	_ = 	snop  }
0x3c: {  	p2 =	seq.s32 s10, $0x1;
	s10 =	sld [smem:$0x3FB3]  }
0x3d: {  	_ =	shalt  }
0x3e: {  	_ =	shalt  }
0x3f: {  	_ =	shalt  }
0x40: {  	_ =	shalt  }
0x41: {  	_ =	shalt  }
0x42: {  	_ =	shalt  }
0x43: {  	_ =	shalt  }
0x44: {  	_ =	shalt  }
0x45: {  	_ =	shalt  }
0x46: {  	_ =	shalt  }
0x47: {  	_ =	shalt  }
0x48: {  	_ =	shalt  }
0x49: {  	_ =	shalt  }
0x4a: {  	_ =	shalt  }
0x4b: {  	_ =	shalt  }
0x4c: {  	_ =	shalt  }
0x4d: {  	_ =	shalt  }
0x4e: {  	_ =	shalt  }
0x4f: {  	_ =	shalt  }
0x50: {  	_ =	shalt  }
0x51: {  	_ =	shalt  }
0x52: {  	_ =	shalt  }
0x53: {  	_ =	shalt  }
0x54: {  	_ =	shalt  }
0x55: {  	_ =	shalt  }
0x56: {  	_ =	shalt  }
0x57: {  	_ =	shalt  }
0x58: {  	_ =	shalt  }
0x59: {  	_ =	shalt  }
0x5a: {  	_ =	shalt  }
0x5b: {  	_ =	shalt  }
0x5c: {  	_ =	shalt  }
0x5d: {  	_ =	shalt  }
0x5e: {  	_ =	shalt  }
0x5f: {  	_ =	shalt  }
0x60: {  	_ =	shalt  }
0x61: {  	_ =	shalt  }
0x62: {  	_ =	shalt  }
0x63: {  	_ =	shalt  }
0x64: {  	_ =	shalt  }
0x65: {  	_ =	shalt  }
0x66: {  	_ =	shalt  }
0x67: {  	_ =	shalt  }
0x68: {  	_ =	shalt  }
0x69: {  	_ =	shalt  }
0x6a: {  	_ =	shalt  }
0x6b: {  	_ =	shalt  }
0x6c: {  	_ =	shalt  }
0x6d: {  	_ =	shalt  }
0x6e: {  	_ =	shalt  }
0x6f: {  	_ =	shalt  }
0x70: {  	_ =	shalt  }
0x71: {  	_ =	shalt  }
0x72: {  	_ =	shalt  }
0x73: {  	_ =	shalt  }
0x74: {  	_ =	shalt  }
0x75: {  	_ =	shalt  }
0x76: {  	_ =	shalt  }
0x77: {  	_ =	shalt  }
0x78: {  	_ =	shalt  }
0x79: {  	_ =	shalt  }
0x7a: {  	_ =	shalt  }
0x7b: {  	_ =	shalt  }
0x7c: {  	_ =	shalt  }
0x7d: {  	_ =	shalt  }
0x7e: {  	_ =	shalt  }
0x7f: {  	_ =	shalt  }
0x80: {  	_ =	shalt  }
0x81: {  	_ =	shalt  }
0x82: {  	_ =	shalt  }
0x83: {  	_ =	shalt  }
0x84: {  	_ =	shalt  }
0x85: {  	_ =	shalt  }
0x86: {  	_ =	shalt  }
0x87: {  	_ =	shalt  }
.Lfunc_end0:
.L_simem_size_0:
called_computation_lowered:
.L_overlay_start_0:
0x88: {  	s2 =	sld [smem:$0x3FD9]  }
0x89: {  	s3 =	sld [smem:$0x3FFE];
	_ =	sdelay $0x1  }
0x8a: {  	s1 =	srdreg.scid  }
0x8b: {  	s0 =	sand.u32 $0x1, s1  }
0x8c: {  	s17 =	sshll.u32 s0, $0xA;
	s2 =	sadd.s32 s3, s2  }
0x8d: {  	s2 =	sadd.s32 s2, s17  }
0x8e: {  	[smem:$0x3FBF] =	sst s2  }
0x8f: {  	_ = 	snop  }
0x90: {  	s2 =	sld [smem:$0x3FD0];
	(tm) =	ssettm $0x1  }
0x91: {  	s18 =	sld [smem:$0x3FFB];
	_ =	sdelay $0x3  }
0x92: {  	_ =	strace s18  }
0x93: {  	s3 =	sld [smem:$0x3FFC];
	_ =	sdelay $0x3  }
0x94: {  	_ =	strace s3  }
0x95: {  	s3 =	sld [smem:$0x3FFD];
	_ =	sdelay $0x3  }
0x96: {  	_ =	strace s3  }
0x97: {  	_ =	strace $0x8FFFFFFF  }
0x98: {  	s19 =	sld [smem:$0x3FDB];
	_ =	sdelay $0x1  }
0x99: {  	s4 =	simm.s32 $_scs_section_size  }
0x9a: {  	s5 =	simm.s32 $_size__tile_overlayer_lowered;
	s6 =	simm.s32 $_tile_overlayer_lowered  }
0x9b: {  	s22 =	simm.s32 $0x1BFF;
	s21 =	sshll.u32 s6, $0x1;
	s3 =	sadd.s32 s4, s19  }
0x9c: {  	s7 =	simm.s32 $0x0;
	s20 =	sshll.u32 s5, $0x1;
	s5 =	sadd.s32 s21, s3  }
0x9d: {  	[timem:s7], [sflag:s22] =	dma.local [hbm:s5], s20  }
0x9e: {  	_ =	swait.ge [sflag:s22], s20  }
0x9f: {  	s4 =	ssub.s32 $0x0, s20;
	[sflag:s22] =	ssyncset.done $0x0  }
0xa0: {  	[sflag:s22] =	ssyncadd.s32 s4;
	_ =	sdelay $0x1  }
0xa1: {  	s23 =	simm.s32 $0x1B8B  }
0xa2: {  	_ =	swait.ge [sflag:s23], $0x1  }
0xa3: {  	[sflag:s23] =	ssyncset.done $0x0  }
0xa4: {  	s25 =	simm.s32 $0x1B8E;
	s24 =	sld [smem:$0x3FFE];
	[sflag:s23] =	ssyncadd.s32 $0xFFFFFFFF  }
0xa5: {  	s26 =	simm.s32 $execute0_lowered;
	[smem:$0x3FD2] =	sst s25  }
0xa6: {  	s5 =	sshll.u32 s26, $0x1;
	_ =	strace $0x80000046;
	[dreg:$0x1] =	wrdreg $0xFFFFFFFF  }
0xa7: {  	s28 =	simm.s32 $_size_execute0_lowered;
	s3 =	sadd.s32 s3, s5;
	[dreg:$0x0] =	wrdreg $0x0  }
0xa8: {  	s5 =	sshll.u32 s28, $0x1;
	[dreg:$0x2] =	wrdreg s3  }
0xa9: {  	[dreg:$0x3] =	wrdreg s5  }
0xaa: {  	[dreg:$0x4] =	wrdreg $0xC0  }
0xab: {  	_ =	task [dreg:s7], $0x5FFFF  }
0xac: {  	[dreg:$0x1] =	wrdreg $0xFFFFFFFF  }
0xad: {  	[dreg:$0x0] =	wrdreg $0x60  }
0xae: {  	[dreg:$0x2] =	wrdreg s2  }
0xaf: {  	[dreg:$0x3] =	wrdreg s24  }
0xb0: {  	[dreg:$0x4] =	wrdreg $0x9  }
0xb1: {  	_ =	task.clear_ibuf [dreg:s7], $0x5FFFF;
	_ =	strace $0x90000046  }
0xb2: {  	s29 =	simm.s32 $0x9;
	_ =	strace $0x80000048  }
0xb3: {  	_ =	swait.ge [sflag:s29], $0x1  }
0xb4: {  	[sflag:s29] =	ssyncadd.s32 $0xFFFFFFFF  }
0xb5: {  	_ =	strace $0x90000048  }
0xb6: {  	_ =	sfence  }
0xb7: {  	s30 =	sld [smem:$0x0];
	_ =	sdelay $0x2  }
0xb8: {  	s31 =	sshll.u32 s1, $0xD;
	s1 =	sshrl.u32 s1, $0x2  }
0xb9: {  	s3 =	sand.u32 $0x4000, s31;
	s1 =	sadd.s32 s1, s30  }
0xba: {  	s0 =	sor.u32 s3, s0;
	s1 =	sshll.u32 s1, $0x11  }
0xbb: {  	s0 =	sor.u32 s1, s0  }
0xbc: {  	s0 =	sadd.s32 $0x8F2B, s0  }
0xbd: {  	[sflag:s0] =	ssyncadd.remote.s32 $0x1  }
0xbe: {  	_ =	sfence.sel $0xFFFF  }
0xbf: {  	[dreg:$0x0] =	wrdreg $0xFFFFFFFF;
	(pc) =	sbr.abs _section_cstart, $3  }
0xc0: {  	[dreg:$0x1] =	wrdreg $0xFFFFFFFF  }
0xc1: {  	_ =	task.clear_ibuf [dreg:s7], $0x2FFFF;
	_ =	strace $0x9FFFFFFF  }
0xc2: {  	(tm) =	ssettm $0x7FFFFFFF  }
0xc3: {  	_ =	shalt  }
tec
execute0_lowered:
.L_overlay_start_1:
0x0: {  	(tag) =	ssettag $0x1  }
0x1: {  	s1 =	rddreg [dreg:$0x0]  }
0x2: {  	s3 =	rddreg [dreg:$0x1]  }
0x3: {  	s0 =	rddreg [dreg:$0x2];
	s2 =	simm.s32 $0x0;
	s4 =	srdreg.scid  }
0x4: {  	s16 =	stileid.u32;
	s13 =	simm.s32 $0x2;
	s14 =	simm.s32 $0x4  }
0x5: {  	s15 =	simm.s32 $0x3;
	[smem:$0x7FF] =	sst s2;
	s6 =	sadd.s32 $0x1C00, s3  }
0x6: {  	s7 =	sadd.s32 $0xBC00, s3;
	s8 =	sand.u32 $0x1, s4;
	s9 =	sshll.u32 s16, $0xA  }
0x7: {  	s31 =	sshll.u32 s16, $0x5;
	p0 =	sne.s32 s16, $0x0;
	s16 =	simm.s32 $0x0  }
0x8: {  	_ =	strace $0x80000047;
	s25 =	ssub.s32 $0x2, s8;
	s10 =	sshll.u32 s8, $0x9  }
0x9: {  	s11 =	sshll.u32 s8, $0x7;
	s8 =	sshll.u32 s8, $0x4;
	s26 =	sshrl.u32 s25, $0x1  }
0xa: {  	s5 =	sor.u32 s10, s9;
	s29 =	sor.u32 $0x27000, s11;
	s9 =	sadd.s32 s9, s7  }
0xb: {  	s12 =	ssub.s32 s25, s26;
	s28 =	sadd.s32 s5, s7;
	s30 =	sshrl.u32 s29, $0x3  }
0xc: {  	s11 =	sshll.u32 s29, $0x2;
	s3 =	sadd.s32 $0x98000, s28;
	s4 =	sadd.s32 s6, s30  }
0xd: {  	s5 =	sadd.s32 s7, s11;
	s11 =	sadd.s32 s31, s6;
	s6 =	smax.u32 s12, $0x1  }
0xe: {  	s12 =	simm.s32 $0x2380;
	s7 =	sadd.s32 s8, s11;
	s8 =	sadd.s32 s10, s9  }
0xf: {  	s9 =	simm.s32 $0x1;
	s10 =	simm.s32 $0x80;
	s11 =	simm.s32 $0x1380  }
.LBB2_1:
0x10: {  	s17 =	simm.s32 $0x0  }
.LBB2_2:
0x11: {  	p1 =	sne.s32 s17, $0x4C00  }
.Ltmp0:
0x12: {  	_ = 	snop;
	(pc) =	sbr.rel @p1 .LBB2_2-.Ltmp0, $3  }
0x13: {  	_ =	sdelay $0x1  }
0x14: {  	s18 =	sshra.s32 s17, $0x2;
	s19 =	sadd.s32 s17, s7;
	s17 =	sadd.s32 $0x200, s17  }
0x15: {  	[tilespmem:s18], [sflag:$0x1] =	stream.linear.gather [hbm4b:s19+s2], $0x80, $0x38;
	[tilespmem:$0x3380] =	vst v63  }
0x16: {  	_ =	swait.ge [sflag:s9], $0x80  }
0x17: {  	s17 =	simm.s32 $0x26;
	[sflag:s9] =	ssyncset.done $0x0  }
.LBB2_4:
0x18: {  	p1 =	sne.s32 s17, $0x1;
	s17 =	sadd.s32 $0xFFFFFFFF, s17;
	[sflag:s9] =	ssyncadd.s32 $0xFFFFFF80  }
.Ltmp1:
0x19: {  	(pc) =	sbr.rel @p1 .LBB2_4-.Ltmp1, $3  }
0x1a: {  	_ =	sdelay $0x1  }
0x1b: {  	_ =	swait.ge [sflag:s9], $0x80  }
0x1c: {  	[sflag:s9] =	ssyncset.done $0x0  }
0x1d: {  	[sflag:s9] =	ssyncadd.s32 $0xFFFFFF80;
	s17 =	simm.s32 $0x0  }
0x1e: {  	[tilespmem:s11], [sflag:$0x2] =	stream.indirect.gather [hbm4b:s1+s10], $0x20, s17, s10, $0xb8;
	[tilespmem:$0x3380] =	vst v63  }
0x1f: {  	s30 =	simm.s32 $0x80  }
0x20: {  	[tilespmem:s12], [sflag:$0x3] =	stream.indirect.gather [hbm4b:s1+s10], $0x20, s30, s10, $0xb8;
	[tilespmem:$0x3380] =	vst v63  }
0x21: {  	_ =	swait.ge [sflag:s13], $0x1000  }
0x22: {  	[sflag:s13] =	ssyncset.done $0x0  }
0x23: {  	s31 =	sadd.s32 $0x0, s8;
	[sflag:s13] =	ssyncadd.s32 $0xFFFFF000  }
0x24: {  	[hbm4b:s31+s2] =	stream.linear.scatter [tilespmem:s11], [sflag:$0x4], $0x1000, $0x38;
	[tilespmem:$0x3380] =	vst v63  }
0x25: {  	_ =	swait.ge [sflag:s14], $0x1000  }
0x26: {  	[sflag:s14] =	ssyncset.done $0x0  }
0x27: {  	s18 =	simm.s32 $0x100;
	[sflag:s14] =	ssyncadd.s32 $0xFFFFF000  }
0x28: {  	[tilespmem:s11], [sflag:$0x2] =	stream.indirect.gather [hbm4b:s1+s10], $0x20, s18, s10, $0xb8;
	[tilespmem:$0x3380] =	vst v63  }
0x29: {  	_ =	swait.ge [sflag:s15], $0x1000  }
0x2a: {  	[sflag:s15] =	ssyncset.done $0x0  }
0x2b: {  	s17 =	sadd.s32 $0x4000, s31;
	[sflag:s15] =	ssyncadd.s32 $0xFFFFF000  }
0x2c: {  	[hbm4b:s17+s2] =	stream.linear.scatter [tilespmem:s12], [sflag:$0x4], $0x1000, $0x38;
	[tilespmem:$0x3380] =	vst v63  }
0x2d: {  	s19 =	simm.s32 $0x10000;
	_ =	swait.ge [sflag:s14], $0x1000  }
0x2e: {  	s18 =	simm.s32 $0x8000;
	s17 =	simm.s32 $0x200;
	[sflag:s14] =	ssyncset.done $0x0  }
.LBB2_6:
0x2f: {  	p1 =	sne.s32 s19, $0x90000;
	s20 =	sadd.s32 $0xFFFFFF80, s17;
	[sflag:s14] =	ssyncadd.s32 $0xFFFFF000  }
0x30: {  	[tilespmem:s12], [sflag:$0x3] =	stream.indirect.gather [hbm4b:s1+s10], $0x20, s20, s10, $0xb8;
	[tilespmem:$0x3380] =	vst v63  }
0x31: {  	s20 =	smov.u32 s19;
	s19 =	sadd.s32 $0x8000, s19;
	_ =	swait.ge [sflag:s13], $0x1000  }
0x32: {  	[sflag:s13] =	ssyncset.done $0x0  }
0x33: {  	s21 =	sadd.s32 s18, s8;
	s18 =	smov.u32 s20;
	[sflag:s13] =	ssyncadd.s32 $0xFFFFF000  }
0x34: {  	[hbm4b:s21+s2] =	stream.linear.scatter [tilespmem:s11], [sflag:$0x4], $0x1000, $0x38;
	[tilespmem:$0x3380] =	vst v63  }
0x35: {  	_ =	swait.ge [sflag:s14], $0x1000  }
0x36: {  	[sflag:s14] =	ssyncset.done $0x0  }
0x37: {  	[sflag:s14] =	ssyncadd.s32 $0xFFFFF000  }
0x38: {  	[tilespmem:s11], [sflag:$0x2] =	stream.indirect.gather [hbm4b:s1+s10], $0x20, s17, s10, $0xb8;
	[tilespmem:$0x3380] =	vst v63  }
0x39: {  	_ =	swait.ge [sflag:s15], $0x1000  }
.Ltmp2:
0x3a: {  	[sflag:s15] =	ssyncset.done $0x0;
	(pc) =	sbr.rel @p1 .LBB2_6-.Ltmp2, $4  }
0x3b: {  	s20 =	sadd.s32 $0x4000, s21;
	[sflag:s15] =	ssyncadd.s32 $0xFFFFF000  }
0x3c: {  	[hbm4b:s20+s2] =	stream.linear.scatter [tilespmem:s12], [sflag:$0x4], $0x1000, $0x38;
	[tilespmem:$0x3380] =	vst v63  }
0x3d: {  	_ =	swait.ge [sflag:s14], $0x1000  }
0x3e: {  	s17 =	sadd.s32 $0x100, s17;
	[sflag:s14] =	ssyncset.done $0x0  }
0x3f: {  	s19 =	sadd.s32 $0xFFFFFF80, s17;
	[sflag:s14] =	ssyncadd.s32 $0xFFFFF000  }
0x40: {  	[tilespmem:s12], [sflag:$0x3] =	stream.indirect.gather [hbm4b:s1+s10], $0x20, s19, s10, $0xb8;
	[tilespmem:$0x3380] =	vst v63  }
0x41: {  	_ =	swait.ge [sflag:s13], $0x1000  }
0x42: {  	[sflag:s13] =	ssyncset.done $0x0  }
0x43: {  	s18 =	sadd.s32 s18, s8;
	[sflag:s13] =	ssyncadd.s32 $0xFFFFF000  }
0x44: {  	[hbm4b:s18+s2] =	stream.linear.scatter [tilespmem:s11], [sflag:$0x4], $0x1000, $0x38;
	[tilespmem:$0x3380] =	vst v63  }
0x45: {  	_ =	swait.ge [sflag:s14], $0x1000  }
0x46: {  	[sflag:s14] =	ssyncset.done $0x0  }
0x47: {  	[sflag:s14] =	ssyncadd.s32 $0xFFFFF000  }
0x48: {  	[tilespmem:s11], [sflag:$0x2] =	stream.indirect.gather [hbm4b:s1+s10], $0x20, s17, s10, $0xb8;
	[tilespmem:$0x3380] =	vst v63  }
0x49: {  	_ =	swait.ge [sflag:s15], $0x1000  }
0x4a: {  	[sflag:s15] =	ssyncset.done $0x0  }
0x4b: {  	s31 =	sadd.s32 $0x4000, s18;
	[sflag:s15] =	ssyncadd.s32 $0xFFFFF000  }
0x4c: {  	[hbm4b:s31+s2] =	stream.linear.scatter [tilespmem:s12], [sflag:$0x4], $0x1000, $0x38;
	[tilespmem:$0x3380] =	vst v63  }
0x4d: {  	_ =	swait.ge [sflag:s14], $0x1000  }
0x4e: {  	[sflag:s14] =	ssyncset.done $0x0  }
0x4f: {  	[sflag:s14] =	ssyncadd.s32 $0xFFFFF000  }
0x50: {  	_ =	swait.ge [sflag:s13], $0x1000  }
0x51: {  	[sflag:s13] =	ssyncset.done $0x0  }
0x52: {  	[sflag:s13] =	ssyncadd.s32 $0xFFFFF000  }
0x53: {  	[hbm4b:s3+s2] =	stream.linear.scatter [tilespmem:s11], [sflag:$0x4], $0x1000, $0x38;
	[tilespmem:$0x3380] =	vst v63  }
0x54: {  	_ =	swait.ge [sflag:s14], $0x1000  }
0x55: {  	[sflag:s14] =	ssyncset.done $0x0  }
0x56: {  	s18 =	simm.s32 @!p0 $0x4;
	s17 =	simm.s32 @!p0 $0x0;
	[sflag:s14] =	ssyncadd.s32 $0xFFFFF000  }
0x57: {  	[tilespmem:s17], [sflag:$0x4] =	stream.linear.gather @!p0 [hbm4b:s4+s17], $0x80, $0x38;
	[tilespmem:$0x3380] =	vst v63  }
0x58: {  	_ =	swait.ge @!p0 [sflag:s18], $0x80  }
0x59: {  	[sflag:s18] =	ssyncset.done @!p0 $0x0  }
0x5a: {  	s20 =	simm.s32 @!p0 $0x1380;
	s19 =	simm.s32 @!p0 $0x80;
	[sflag:s18] =	ssyncadd.s32 @!p0 $0xFFFFFF80  }
0x5b: {  	[tilespmem:s20], [sflag:$0x2] =	stream.indirect.gather @!p0 [hbm4b:s1+s19], $0x20, s17, s19, $0xb8;
	[tilespmem:$0x3380] =	vst v63  }
0x5c: {  	s19 =	simm.s32 @!p0 $0x2  }
0x5d: {  	s16 =	sadd.s32 $0x1, s16;
	_ =	swait.ge @!p0 [sflag:s19], $0x1000  }
0x5e: {  	p1 =	sne.s32 s16, s6;
	[sflag:s19] =	ssyncset.done @!p0 $0x0  }
.Ltmp3:
0x5f: {  	[sflag:s19] =	ssyncadd.s32 @!p0 $0xFFFFF000;
	(pc) =	sbr.rel @p1 .LBB2_1-.Ltmp3, $4  }
0x60: {  	[hbm4b:s5+s17] =	stream.linear.scatter @!p0 [tilespmem:s20], [sflag:$0x4], $0x1000, $0x38;
	[tilespmem:$0x3380] =	vst v63  }
0x61: {  	_ =	swait.ge @!p0 [sflag:s18], $0x1000  }
0x62: {  	[sflag:s18] =	ssyncset.done @!p0 $0x0  }
0x63: {  	[sflag:s18] =	ssyncadd.s32 @!p0 $0xFFFFF000  }
0x64: {  	_ =	sfence.sel $0x180000  }
0x65: {  	[bflag:$0x0] =	sbarrier.arrive $0xFFFF  }
0x66: {  	_ =	strace $0x90000047  }
0x67: {  	s0 =	sadd.s32 @!p0 $0x100000, s0;
	[bflag:$0x2] =	sbarrier.arrive $0xFFFF  }
0x68: {  	[sflag:s0] =	ssyncadd.tile.s32 @!p0 $0x1;
	_ =	shalt  }
.Lfunc_end2:
_tile_overlayer_lowered:
.L_overlay_start_2:
0x69: {  	(tag) =	ssettag $0x2  }
0x6a: {  	s0 =	rddreg [dreg:$0x0];
	s2 =	stileid.u32  }
0x6b: {  	s1 =	rddreg [dreg:$0x1];
	p0 =	sne.s32 s2, $0x0  }
0x6c: {  	s3 =	rddreg [dreg:$0x2];
	[bflag:$0x3] =	sbarrier.arrive $0xFFFF;
	s2 =	simm.s32 @!p0 $0x1C04  }
0x6d: {  	[timem:s3], [sflag:s2] =	dma.local @!p0 [hbm:s0], s1  }
0x6e: {  	s0 =	simm.s32 @!p0 $0x4  }
0x6f: {  	_ =	swait.ge @!p0 [sflag:s0], s1  }
0x70: {  	s1 =	ssub.s32 @!p0 $0x0, s1;
	[sflag:s0] =	ssyncset.done @!p0 $0x0  }
0x71: {  	[sflag:s0] =	ssyncadd.s32 @!p0 s1  }
0x72: {  	[bflag:$0x3] =	sbarrier.arrive $0xFFFF  }
0x73: {  	_ =	shalt  }

// kernel: kernel.9.cloned.1.call-start
scs
__scs_entry_jumppad:
0x0: {  	(pc) =	sbr.rel $0x88, $3  }
0x1: {  	(tag) =	ssettag $0x0;
	lr =	simm.s32 $0x1  }
0x2: {  	[smem:$0x3F98] =	sst lr;
	_ =	strace $0xD0000000  }
0x3: {  	_ = 	snop  }
0x4: {  	_ = 	snop  }
0x5: {  	_ = 	snop  }
0x6: {  	_ = 	snop  }
0x7: {  	_ = 	snop  }
__scs_overlays_trampoline_lowered:
0x8: {  	[smem:$0x3FA7] =	sst s0  }
0x9: {  	[smem:$0x3FA8] =	sst s1  }
0xa: {  	[smem:$0x3FA9] =	sst s2  }
0xb: {  	[smem:$0x3FAA] =	sst s3  }
0xc: {  	[smem:$0x3FAB] =	sst s4  }
0xd: {  	[smem:$0x3FAC] =	sst s5  }
0xe: {  	[smem:$0x3FAD] =	sst s6  }
0xf: {  	[smem:$0x3FAE] =	sst s7  }
0x10: {  	[smem:$0x3FAF] =	sst s8  }
0x11: {  	[smem:$0x3FB0] =	sst s9;
	s0 =	simm.s32 @!p0 $0x0  }
0x12: {  	s1 =	sld [smem:$0x3F96];
	s0 =	simm.s32 @p0 $0x1  }
0x13: {  	[smem:$0x3FB1] =	sst s0;
	s0 =	simm.s32 @!p1 $0x0  }
0x14: {  	s2 =	sld [smem:$0x3F95];
	s0 =	simm.s32 @p1 $0x1  }
0x15: {  	[smem:$0x3FB2] =	sst s0;
	s0 =	simm.s32 @!p2 $0x0  }
0x16: {  	s3 =	sld [smem:$0x3FDB];
	s0 =	simm.s32 @p2 $0x1  }
0x17: {  	s4 =	simm.s32 $0x1BF5;
	[smem:$0x3FB4] =	sst s0  }
0x18: {  	s0 =	sld [smem:$0x3F97];
	_ =	swait.ge [sflag:s4], $0x0  }
0x19: {  	s7 =	sld [smem:$0x3F98]  }
0x1a: {  	s8 =	sadd.s32 $0xFFFFE003, lr  }
0x1b: {  	s9 =	sadd.s32 $0xFFFFFEF7, lr;
	s5 =	simm.s32 $0xFFFFFFFF;
	p2 =	slt.u32 s8, $0xFFFFF086  }
0x1c: {  	p1 =	slt.u32 s9, $0xF7A;
	s5 =	simm.s32 @!p2 $0x0  }
0x1d: {  	s5 =	simm.s32 @p1 $0x1;
	p0 =	seq.s32 s7, s2  }
0x1e: {  	s7 =	smul.u32 @!p0 $0xF7A, s2;
	p2 =	seq.s32 @!p0 s5, $0x0  }
0x1f: {  	s9 =	smul.u32 $0xF7A, s1;
	s8 =	simm.s32 @!p0 $0x1BF5;
	p2 =	por !p2, p0  }
0x20: {  	[sflag:s8] =	ssyncset.s32 @!p0 $0xFFFFF086;
	s6 =	sadd.s32 @!p0 s3, s7;
	s7 =	simm.s32 @!p0 $0x108  }
0x21: {  	s3 =	sadd.s32 s3, s9;
	s6 =	sadd.s32 @!p0 $0x88, s6;
	s7 =	simm.s32 @p2 $0x1082  }
0x22: {  	[simem:s7], [sflag:s8] =	dma.local @!p0 [hbm:s6], $0xF7A  }
0x23: {  	s9 =	sor.u32 $0xD0000000, s2;
	s6 =	simm.s32 $0x108;
	_ =	swait.ge @!p0 [sflag:s8], $0x0  }
0x24: {  	s3 =	sadd.s32 $0x88, s3;
	s6 =	simm.s32 @!p1 $0x1082;
	[sflag:s4] =	ssyncset.s32 $0xFFFFF086  }
0x25: {  	[simem:s6], [sflag:s4] =	dma.local [hbm:s3], $0xF7A  }
0x26: {  	[smem:$0x3F98] =	sst s1;
	(tag) =	ssettag s2;
	_ =	strace s9  }
0x27: {  	s1 =	sld [smem:$0x3FA8]  }
0x28: {  	s2 =	sld [smem:$0x3FA9]  }
0x29: {  	s4 =	sld [smem:$0x3FAB]  }
0x2a: {  	p0 =	seq.s32 s5, $0x0;
	s5 =	sld [smem:$0x3FAC]  }
0x2b: {  	s6 =	sld [smem:$0x3FAD]  }
0x2c: {  	s7 =	sld [smem:$0x3FAE]  }
0x2d: {  	s3 =	simm.s32 $0x108;
	s8 =	sld [smem:$0x3FAF]  }
0x2e: {  	s3 =	simm.s32 @!p0 $0x1082;
	s9 =	sld [smem:$0x3FB0]  }
0x2f: {  	lr =	sadd.s32 s0, s3;
	s0 =	sld [smem:$0x3FA7]  }
0x30: {  	s3 =	sld [smem:$0x3FAA]  }
0x31: {  	[smem:$0x3FB3] =	sst s10  }
0x32: {  	s10 =	sld [smem:$0x3FB1];
	_ =	sdelay $0x3  }
0x33: {  	p0 =	seq.s32 s10, $0x1;
	s10 =	sld [smem:$0x3FB3];
	_ =	sdelay $0x3  }
0x34: {  	[smem:$0x3FB3] =	sst s10  }
0x35: {  	s10 =	sld [smem:$0x3FB2];
	_ =	sdelay $0x3  }
0x36: {  	p1 =	seq.s32 s10, $0x1;
	s10 =	sld [smem:$0x3FB3];
	_ =	sdelay $0x3  }
0x37: {  	[smem:$0x3FB3] =	sst s10  }
0x38: {  	s10 =	sld [smem:$0x3FB4]  }
0x39: {  	_ = 	snop;
	(pc) =	sbr.ind lr, $3  }
0x3a: {  	_ = 	snop  }
0x3b: {  	_ = 	snop  }
0x3c: {  	p2 =	seq.s32 s10, $0x1;
	s10 =	sld [smem:$0x3FB3]  }
0x3d: {  	_ =	shalt  }
0x3e: {  	_ =	shalt  }
0x3f: {  	_ =	shalt  }
0x40: {  	_ =	shalt  }
0x41: {  	_ =	shalt  }
0x42: {  	_ =	shalt  }
0x43: {  	_ =	shalt  }
0x44: {  	_ =	shalt  }
0x45: {  	_ =	shalt  }
0x46: {  	_ =	shalt  }
0x47: {  	_ =	shalt  }
0x48: {  	_ =	shalt  }
0x49: {  	_ =	shalt  }
0x4a: {  	_ =	shalt  }
0x4b: {  	_ =	shalt  }
0x4c: {  	_ =	shalt  }
0x4d: {  	_ =	shalt  }
0x4e: {  	_ =	shalt  }
0x4f: {  	_ =	shalt  }
0x50: {  	_ =	shalt  }
0x51: {  	_ =	shalt  }
0x52: {  	_ =	shalt  }
0x53: {  	_ =	shalt  }
0x54: {  	_ =	shalt  }
0x55: {  	_ =	shalt  }
0x56: {  	_ =	shalt  }
0x57: {  	_ =	shalt  }
0x58: {  	_ =	shalt  }
0x59: {  	_ =	shalt  }
0x5a: {  	_ =	shalt  }
0x5b: {  	_ =	shalt  }
0x5c: {  	_ =	shalt  }
0x5d: {  	_ =	shalt  }
0x5e: {  	_ =	shalt  }
0x5f: {  	_ =	shalt  }
0x60: {  	_ =	shalt  }
0x61: {  	_ =	shalt  }
0x62: {  	_ =	shalt  }
0x63: {  	_ =	shalt  }
0x64: {  	_ =	shalt  }
0x65: {  	_ =	shalt  }
0x66: {  	_ =	shalt  }
0x67: {  	_ =	shalt  }
0x68: {  	_ =	shalt  }
0x69: {  	_ =	shalt  }
0x6a: {  	_ =	shalt  }
0x6b: {  	_ =	shalt  }
0x6c: {  	_ =	shalt  }
0x6d: {  	_ =	shalt  }
0x6e: {  	_ =	shalt  }
0x6f: {  	_ =	shalt  }
0x70: {  	_ =	shalt  }
0x71: {  	_ =	shalt  }
0x72: {  	_ =	shalt  }
0x73: {  	_ =	shalt  }
0x74: {  	_ =	shalt  }
0x75: {  	_ =	shalt  }
0x76: {  	_ =	shalt  }
0x77: {  	_ =	shalt  }
0x78: {  	_ =	shalt  }
0x79: {  	_ =	shalt  }
0x7a: {  	_ =	shalt  }
0x7b: {  	_ =	shalt  }
0x7c: {  	_ =	shalt  }
0x7d: {  	_ =	shalt  }
0x7e: {  	_ =	shalt  }
0x7f: {  	_ =	shalt  }
0x80: {  	_ =	shalt  }
0x81: {  	_ =	shalt  }
0x82: {  	_ =	shalt  }
0x83: {  	_ =	shalt  }
0x84: {  	_ =	shalt  }
0x85: {  	_ =	shalt  }
0x86: {  	_ =	shalt  }
0x87: {  	_ =	shalt  }
.Lfunc_end0:
.L_simem_size_0:
called_computation.1_lowered:
.L_overlay_start_0:
0x88: {  	s2 =	sld [smem:$0x3FD9]  }
0x89: {  	s3 =	sld [smem:$0x3FFE];
	_ =	sdelay $0x1  }
0x8a: {  	s1 =	srdreg.scid  }
0x8b: {  	s0 =	sand.u32 $0x1, s1  }
0x8c: {  	s17 =	sshll.u32 s0, $0xA;
	s2 =	sadd.s32 s3, s2  }
0x8d: {  	s2 =	sadd.s32 s2, s17  }
0x8e: {  	[smem:$0x3FBF] =	sst s2  }
0x8f: {  	_ = 	snop  }
0x90: {  	s2 =	sld [smem:$0x3FD0];
	(tm) =	ssettm $0x1  }
0x91: {  	s18 =	sld [smem:$0x3FFB];
	_ =	sdelay $0x3  }
0x92: {  	_ =	strace s18  }
0x93: {  	s3 =	sld [smem:$0x3FFC];
	_ =	sdelay $0x3  }
0x94: {  	_ =	strace s3  }
0x95: {  	s3 =	sld [smem:$0x3FFD];
	_ =	sdelay $0x3  }
0x96: {  	_ =	strace s3  }
0x97: {  	_ =	strace $0x8FFFFFFF  }
0x98: {  	s19 =	sld [smem:$0x3FDB];
	_ =	sdelay $0x1  }
0x99: {  	s4 =	simm.s32 $_scs_section_size  }
0x9a: {  	s5 =	simm.s32 $_size__tile_overlayer_lowered;
	s6 =	simm.s32 $_tile_overlayer_lowered  }
0x9b: {  	s22 =	simm.s32 $0x1BFF;
	s21 =	sshll.u32 s6, $0x1;
	s3 =	sadd.s32 s4, s19  }
0x9c: {  	s7 =	simm.s32 $0x0;
	s20 =	sshll.u32 s5, $0x1;
	s5 =	sadd.s32 s21, s3  }
0x9d: {  	[timem:s7], [sflag:s22] =	dma.local [hbm:s5], s20  }
0x9e: {  	_ =	swait.ge [sflag:s22], s20  }
0x9f: {  	s4 =	ssub.s32 $0x0, s20;
	[sflag:s22] =	ssyncset.done $0x0  }
0xa0: {  	[sflag:s22] =	ssyncadd.s32 s4;
	_ =	sdelay $0x1  }
0xa1: {  	s23 =	simm.s32 $0x1B8B  }
0xa2: {  	_ =	swait.ge [sflag:s23], $0x1  }
0xa3: {  	[sflag:s23] =	ssyncset.done $0x0  }
0xa4: {  	s25 =	simm.s32 $0x1B8E;
	s24 =	sld [smem:$0x3FFE];
	[sflag:s23] =	ssyncadd.s32 $0xFFFFFFFF  }
0xa5: {  	s26 =	simm.s32 $execute0_lowered;
	[smem:$0x3FD2] =	sst s25  }
0xa6: {  	s5 =	sshll.u32 s26, $0x1;
	_ =	strace $0x80000049;
	[dreg:$0x1] =	wrdreg $0xFFFFFFFF  }
0xa7: {  	s28 =	simm.s32 $_size_execute0_lowered;
	s3 =	sadd.s32 s3, s5;
	[dreg:$0x0] =	wrdreg $0x0  }
0xa8: {  	s5 =	sshll.u32 s28, $0x1;
	[dreg:$0x2] =	wrdreg s3  }
0xa9: {  	[dreg:$0x3] =	wrdreg s5  }
0xaa: {  	[dreg:$0x4] =	wrdreg $0xC0  }
0xab: {  	_ =	task [dreg:s7], $0x5FFFF  }
0xac: {  	[dreg:$0x1] =	wrdreg $0xFFFFFFFF  }
0xad: {  	[dreg:$0x0] =	wrdreg $0x60  }
0xae: {  	[dreg:$0x2] =	wrdreg s24  }
0xaf: {  	[dreg:$0x3] =	wrdreg s2  }
0xb0: {  	[dreg:$0x4] =	wrdreg $0x33800  }
0xb1: {  	[dreg:$0x5] =	wrdreg $0x9  }
0xb2: {  	_ =	task.clear_ibuf [dreg:s7], $0x6FFFF;
	_ =	strace $0x90000049  }
0xb3: {  	s29 =	simm.s32 $0x9;
	_ =	strace $0x8000004B  }
0xb4: {  	_ =	swait.ge [sflag:s29], $0x1  }
0xb5: {  	[sflag:s29] =	ssyncadd.s32 $0xFFFFFFFF  }
0xb6: {  	_ =	strace $0x9000004B  }
0xb7: {  	_ =	sfence  }
0xb8: {  	s30 =	sld [smem:$0x0];
	_ =	sdelay $0x2  }
0xb9: {  	s31 =	sshll.u32 s1, $0xD;
	s1 =	sshrl.u32 s1, $0x2  }
0xba: {  	s3 =	sand.u32 $0x4000, s31;
	s1 =	sadd.s32 s1, s30  }
0xbb: {  	s0 =	sor.u32 s3, s0;
	s1 =	sshll.u32 s1, $0x11  }
0xbc: {  	s0 =	sor.u32 s1, s0  }
0xbd: {  	s0 =	sadd.s32 $0x8F2B, s0  }
0xbe: {  	[sflag:s0] =	ssyncadd.remote.s32 $0x1  }
0xbf: {  	_ =	sfence.sel $0xFFFF  }
0xc0: {  	[dreg:$0x0] =	wrdreg $0xFFFFFFFF;
	(pc) =	sbr.abs _section_cstart, $3  }
0xc1: {  	[dreg:$0x1] =	wrdreg $0xFFFFFFFF  }
0xc2: {  	_ =	task.clear_ibuf [dreg:s7], $0x2FFFF;
	_ =	strace $0x9FFFFFFF  }
0xc3: {  	(tm) =	ssettm $0x7FFFFFFF  }
tec
execute0_lowered:
.L_overlay_start_1:
0x0: {  	(tag) =	ssettag $0x1  }
0x1: {  	s4 =	rddreg [dreg:$0x0]  }
0x2: {  	s1 =	rddreg [dreg:$0x1]  }
0x3: {  	s2 =	rddreg [dreg:$0x2]  }
0x4: {  	s0 =	rddreg [dreg:$0x3]  }
0x5: {  	s3 =	simm.s32 $0x0;
	s5 =	srdreg.scid;
	s14 =	stileid.u32  }
0x6: {  	s21 =	simm.s32 $0x80;
	s22 =	simm.s32 $0x3;
	s23 =	simm.s32 $0x1300  }
0x7: {  	[smem:$0x7FF] =	sst s3;
	s11 =	sand.u32 $0x1, s5;
	s12 =	sadd.s32 $0xA8000, s4  }
0x8: {  	s6 =	smul.u32 $0x13800, s14;
	s13 =	sadd.s32 $0x6C00, s4;
	s10 =	sadd.s32 $0xBC00, s4  }
0x9: {  	s7 =	smul.u32 $0x270, s14;
	s26 =	sshll.u32 s14, $0x6;
	s16 =	sshll.u32 s14, $0xA  }
0xa: {  	s18 =	sadd.s32 $0x4E000, s2;
	s30 =	sshll.u32 s14, $0x5;
	p0 =	sne.s32 s14, $0x0  }
0xb: {  	_ =	strace $0x8000004A;
	s5 =	ssub.s32 $0x2, s11;
	s28 =	smul.u32 $0x2710, s11  }
0xc: {  	s17 =	sshll.u32 s11, $0x9;
	s9 =	sshll.u32 s11, $0x7;
	s19 =	smul.u32 $0x4E200, s11  }
0xd: {  	s31 =	sshll.u32 s11, $0x4;
	s24 =	sshrl.u32 s5, $0x1;
	s25 =	sshrl.u32 s6, $0x2  }
0xe: {  	s8 =	sor.u32 s17, s16;
	s29 =	sor.u32 $0x27000, s9;
	s15 =	ssub.s32 s5, s24  }
0xf: {  	s4 =	sadd.s32 s25, s2;
	s5 =	sor.u32 $0x1C04, s26;
	s6 =	sadd.s32 s7, s28  }
0x10: {  	s9 =	sshrl.u32 s29, $0x3;
	s20 =	sshll.u32 s29, $0x2;
	s19 =	sshrl.u32 s19, $0x3  }
0x11: {  	s24 =	simm.s32 $0x0;
	s7 =	sshll.u32 s6, $0x2;
	s6 =	sadd.s32 s12, s8  }
0x12: {  	s8 =	sadd.s32 s13, s9;
	s9 =	sadd.s32 s12, s20;
	s12 =	sadd.s32 s16, s12  }
0x13: {  	s13 =	sadd.s32 s30, s13;
	s11 =	smax.u32 s15, $0x1;
	s14 =	sshrl.u32 s4, $0x3  }
0x14: {  	s15 =	simm.s32 $0x4;
	s16 =	sshrl.u32 @!p0 s18, $0x3;
	s18 =	simm.s32 $0x1380  }
0x15: {  	s20 =	simm.s32 $0x2;
	s7 =	sadd.s32 s10, s7;
	s10 =	sadd.s32 s10, s19  }
0x16: {  	s17 =	sadd.s32 s17, s12;
	s12 =	sadd.s32 s31, s13;
	s19 =	simm.s32 $0x2380  }
0x17: {  	s10 =	sadd.s32 $0x9C00, s10;
	s13 =	sadd.s32 $0x8000, s17;
	s17 =	simm.s32 $0x1  }
.LBB2_1:
0x18: {  	[spmem:s14], [sflag:s5] =	dma.local [hbm:s1], $0x9C0  }
0x19: {  	_ =	swait.ge [sflag:s15], $0x9C0  }
0x1a: {  	[sflag:s15] =	ssyncset.done $0x0  }
0x1b: {  	s25 =	simm.s32 @!p0 $0x4;
	[sflag:s15] =	ssyncadd.s32 $0xFFFFF640  }
0x1c: {  	[spmem:s16], [sflag:s5] =	dma.local @!p0 [hbm:s1], $0x40  }
0x1d: {  	_ =	swait.ge @!p0 [sflag:s25], $0x40  }
0x1e: {  	[sflag:s25] =	ssyncset.done @!p0 $0x0  }
0x1f: {  	[sflag:s25] =	ssyncadd.s32 @!p0 $0xFFFFFFC0;
	s25 =	simm.s32 $0x0  }
.LBB2_2:
0x20: {  	p1 =	sne.s32 s25, $0x4C00  }
.Ltmp0:
0x21: {  	_ = 	snop;
	(pc) =	sbr.rel @p1 .LBB2_2-.Ltmp0, $3  }
0x22: {  	_ =	sdelay $0x1  }
0x23: {  	s26 =	sshra.s32 s25, $0x2;
	s28 =	sadd.s32 s25, s12;
	s25 =	sadd.s32 $0x200, s25  }
0x24: {  	[tilespmem:s26], [sflag:$0x1] =	stream.linear.gather [hbm4b:s28+s3], $0x80, $0x38;
	[tilespmem:$0x81A0] =	vst v63  }
0x25: {  	_ =	swait.ge [sflag:s17], $0x80  }
0x26: {  	s25 =	simm.s32 $0x26;
	[sflag:s17] =	ssyncset.done $0x0  }
.LBB2_4:
0x27: {  	p1 =	sne.s32 s25, $0x1;
	s25 =	sadd.s32 $0xFFFFFFFF, s25;
	[sflag:s17] =	ssyncadd.s32 $0xFFFFFF80  }
.Ltmp1:
0x28: {  	(pc) =	sbr.rel @p1 .LBB2_4-.Ltmp1, $3  }
0x29: {  	_ =	sdelay $0x1  }
0x2a: {  	_ =	swait.ge [sflag:s17], $0x80  }
0x2b: {  	[sflag:s17] =	ssyncset.done $0x0  }
0x2c: {  	[sflag:s17] =	ssyncadd.s32 $0xFFFFFF80  }
0x2d: {  	s25 =	simm.s32 $0x0;
	[bflag:$0x0] =	sbarrier.arrive $0xFFFF  }
0x2e: {  	[tilespmem:s18], [sflag:$0x2] =	stream.linear.gather [hbm4b:s6+s25], $0x1000, $0x38;
	[tilespmem:$0x81A0] =	vst v63  }
0x2f: {  	s29 =	sadd.s32 $0xFFFFC000, s13  }
0x30: {  	[tilespmem:s19], [sflag:$0x3] =	stream.linear.gather [hbm4b:s29+s3], $0x1000, $0x38;
	[tilespmem:$0x81A0] =	vst v63  }
0x31: {  	_ =	swait.ge [sflag:s20], $0x1000  }
0x32: {  	[sflag:s20] =	ssyncset.done $0x0  }
0x33: {  	s30 =	simm.s32 $0x0;
	[sflag:s20] =	ssyncadd.s32 $0xFFFFF000  }
0x34: {  	[spmem:s2] =	stream.indirect.scatter.add.f32 [tilespmem:s18], [sflag:$0x4], $0x20, s30, s21, $0xb8;
	[tilespmem:$0x81A0] =	vst v63  }
0x35: {  	_ =	swait.ge [sflag:s15], $0x1000  }
0x36: {  	[sflag:s15] =	ssyncset.done $0x0  }
0x37: {  	[sflag:s15] =	ssyncadd.s32 $0xFFFFF000  }
0x38: {  	[tilespmem:s18], [sflag:$0x2] =	stream.linear.gather [hbm4b:s13+s3], $0x1000, $0x38;
	[tilespmem:$0x81A0] =	vst v63  }
0x39: {  	_ =	swait.ge [sflag:s22], $0x1000  }
0x3a: {  	[sflag:s22] =	ssyncset.done $0x0  }
0x3b: {  	s31 =	simm.s32 $0x80;
	[sflag:s22] =	ssyncadd.s32 $0xFFFFF000  }
0x3c: {  	[spmem:s2] =	stream.indirect.scatter.add.f32 [tilespmem:s19], [sflag:$0x4], $0x20, s31, s21, $0xb8;
	[tilespmem:$0x81A0] =	vst v63  }
0x3d: {  	s26 =	simm.s32 $0x400;
	_ =	swait.ge [sflag:s15], $0x1000  }
0x3e: {  	s28 =	simm.s32 $0x800;
	s25 =	sadd.s32 $0x8000, s13;
	[sflag:s15] =	ssyncset.done $0x0  }
.LBB2_6:
0x3f: {  	p1 =	sne.s32 s28, $0x4800;
	s29 =	sadd.s32 $0xFFFFC000, s25;
	[sflag:s15] =	ssyncadd.s32 $0xFFFFF000  }
0x40: {  	[tilespmem:s19], [sflag:$0x3] =	stream.linear.gather [hbm4b:s29+s3], $0x1000, $0x38;
	[tilespmem:$0x81A0] =	vst v63  }
0x41: {  	s29 =	smov.u32 s28;
	s28 =	sadd.s32 $0x400, s28;
	_ =	swait.ge [sflag:s20], $0x1000  }
0x42: {  	[sflag:s20] =	ssyncset.done $0x0  }
0x43: {  	s30 =	sshra.s32 s26, $0x2;
	s26 =	smov.u32 s29;
	[sflag:s20] =	ssyncadd.s32 $0xFFFFF000  }
0x44: {  	[spmem:s2] =	stream.indirect.scatter.add.f32 [tilespmem:s18], [sflag:$0x4], $0x20, s30, s21, $0xb8;
	[tilespmem:$0x81A0] =	vst v63  }
0x45: {  	_ =	swait.ge [sflag:s15], $0x1000  }
0x46: {  	[sflag:s15] =	ssyncset.done $0x0  }
0x47: {  	[sflag:s15] =	ssyncadd.s32 $0xFFFFF000  }
0x48: {  	[tilespmem:s18], [sflag:$0x2] =	stream.linear.gather [hbm4b:s25+s3], $0x1000, $0x38;
	[tilespmem:$0x81A0] =	vst v63  }
0x49: {  	_ =	swait.ge [sflag:s22], $0x1000  }
.Ltmp2:
0x4a: {  	[sflag:s22] =	ssyncset.done $0x0;
	(pc) =	sbr.rel @p1 .LBB2_6-.Ltmp2, $4  }
0x4b: {  	s29 =	sadd.s32 $0x80, s30;
	[sflag:s22] =	ssyncadd.s32 $0xFFFFF000  }
0x4c: {  	[spmem:s2] =	stream.indirect.scatter.add.f32 [tilespmem:s19], [sflag:$0x4], $0x20, s29, s21, $0xb8;
	[tilespmem:$0x81A0] =	vst v63  }
0x4d: {  	_ =	swait.ge [sflag:s15], $0x1000  }
0x4e: {  	s25 =	sadd.s32 $0x8000, s25;
	[sflag:s15] =	ssyncset.done $0x0  }
0x4f: {  	s28 =	sadd.s32 $0xFFFFC000, s25;
	[sflag:s15] =	ssyncadd.s32 $0xFFFFF000  }
0x50: {  	[tilespmem:s19], [sflag:$0x3] =	stream.linear.gather [hbm4b:s28+s3], $0x1000, $0x38;
	[tilespmem:$0x81A0] =	vst v63  }
0x51: {  	_ =	swait.ge [sflag:s20], $0x1000  }
0x52: {  	[sflag:s20] =	ssyncset.done $0x0  }
0x53: {  	s26 =	sshra.s32 s26, $0x2;
	[sflag:s20] =	ssyncadd.s32 $0xFFFFF000  }
0x54: {  	[spmem:s2] =	stream.indirect.scatter.add.f32 [tilespmem:s18], [sflag:$0x4], $0x20, s26, s21, $0xb8;
	[tilespmem:$0x81A0] =	vst v63  }
0x55: {  	_ =	swait.ge [sflag:s15], $0x1000  }
0x56: {  	[sflag:s15] =	ssyncset.done $0x0  }
0x57: {  	[sflag:s15] =	ssyncadd.s32 $0xFFFFF000  }
0x58: {  	[tilespmem:s18], [sflag:$0x2] =	stream.linear.gather [hbm4b:s25+s3], $0x1000, $0x38;
	[tilespmem:$0x81A0] =	vst v63  }
0x59: {  	_ =	swait.ge [sflag:s22], $0x1000  }
0x5a: {  	[sflag:s22] =	ssyncset.done $0x0  }
0x5b: {  	s31 =	sadd.s32 $0x80, s26;
	[sflag:s22] =	ssyncadd.s32 $0xFFFFF000  }
0x5c: {  	[spmem:s2] =	stream.indirect.scatter.add.f32 [tilespmem:s19], [sflag:$0x4], $0x20, s31, s21, $0xb8;
	[tilespmem:$0x81A0] =	vst v63  }
0x5d: {  	_ =	swait.ge [sflag:s15], $0x1000  }
0x5e: {  	[sflag:s15] =	ssyncset.done $0x0  }
0x5f: {  	[sflag:s15] =	ssyncadd.s32 $0xFFFFF000  }
0x60: {  	_ =	swait.ge [sflag:s20], $0x1000  }
0x61: {  	[sflag:s20] =	ssyncset.done $0x0  }
0x62: {  	[sflag:s20] =	ssyncadd.s32 $0xFFFFF000  }
0x63: {  	[spmem:s2] =	stream.indirect.scatter.add.f32 [tilespmem:s18], [sflag:$0x4], $0x20, s23, s21, $0xb8;
	[tilespmem:$0x81A0] =	vst v63  }
0x64: {  	_ =	swait.ge [sflag:s15], $0x1000  }
0x65: {  	[sflag:s15] =	ssyncset.done $0x0  }
0x66: {  	[sflag:s15] =	ssyncadd.s32 $0xFFFFF000  }
0x67: {  	s25 =	sshrl.u32 @p0 s4, $0x3;
	[bflag:$0x0] =	sbarrier.arrive @p0 $0xFFFF  }
0x68: {  	[hbm:s7], [sflag:s5] =	dma.local @p0 [spmem:s25], $0x9C0  }
0x69: {  	s25 =	simm.s32 @p0 $0x4  }
0x6a: {  	_ =	swait.ge @p0 [sflag:s25], $0x9C0  }
0x6b: {  	[sflag:s25] =	ssyncset.done @p0 $0x0  }
0x6c: {  	s26 =	simm.s32 @!p0 $0x4;
	[sflag:s25] =	ssyncadd.s32 @p0 $0xFFFFF640;
	s25 =	simm.s32 @!p0 $0x0  }
0x6d: {  	[tilespmem:s25], [sflag:$0x4] =	stream.linear.gather @!p0 [hbm4b:s8+s25], $0x80, $0x38;
	[tilespmem:$0x81A0] =	vst v63  }
0x6e: {  	_ =	swait.ge @!p0 [sflag:s26], $0x80  }
0x6f: {  	[sflag:s26] =	ssyncset.done @!p0 $0x0  }
0x70: {  	s28 =	simm.s32 @!p0 $0x1380;
	[sflag:s26] =	ssyncadd.s32 @!p0 $0xFFFFFF80  }
0x71: {  	[tilespmem:s28], [sflag:$0x4] =	stream.linear.gather @!p0 [hbm4b:s9+s25], $0x1000, $0x38;
	[tilespmem:$0x81A0] =	vst v63  }
0x72: {  	_ =	swait.ge @!p0 [sflag:s26], $0x1000  }
0x73: {  	[sflag:s26] =	ssyncset.done @!p0 $0x0  }
0x74: {  	s29 =	simm.s32 @!p0 $0x80;
	[sflag:s26] =	ssyncadd.s32 @!p0 $0xFFFFF000  }
0x75: {  	[spmem:s2] =	stream.indirect.scatter.add.f32 @!p0 [tilespmem:s28], [sflag:$0x4], $0x20, s25, s29, $0xb8;
	[tilespmem:$0x81A0] =	vst v63  }
0x76: {  	_ =	swait.ge @!p0 [sflag:s26], $0x1000  }
0x77: {  	[sflag:s26] =	ssyncset.done @!p0 $0x0  }
0x78: {  	[sflag:s26] =	ssyncadd.s32 @!p0 $0xFFFFF000  }
0x79: {  	s25 =	sshrl.u32 @!p0 s4, $0x3;
	[bflag:$0x0] =	sbarrier.arrive @!p0 $0xFFFF  }
0x7a: {  	[hbm:s7], [sflag:s5] =	dma.local @!p0 [spmem:s25], $0x9C0  }
0x7b: {  	s24 =	sadd.s32 $0x1, s24;
	_ =	swait.ge @!p0 [sflag:s26], $0x9C0  }
0x7c: {  	p1 =	sne.s32 s24, s11;
	[sflag:s26] =	ssyncset.done @!p0 $0x0  }
.Ltmp3:
0x7d: {  	[sflag:s26] =	ssyncadd.s32 @!p0 $0xFFFFF640;
	(pc) =	sbr.rel @p1 .LBB2_1-.Ltmp3, $4  }
0x7e: {  	[hbm:s10], [sflag:s5] =	dma.local @!p0 [spmem:s16], $0x40  }
0x7f: {  	_ =	swait.ge @!p0 [sflag:s26], $0x40  }
0x80: {  	[sflag:s26] =	ssyncset.done @!p0 $0x0  }
0x81: {  	[sflag:s26] =	ssyncadd.s32 @!p0 $0xFFFFFFC0  }
0x82: {  	_ =	sfence.sel $0x180000  }
0x83: {  	[bflag:$0x0] =	sbarrier.arrive $0xFFFF  }
0x84: {  	_ =	strace $0x9000004A  }
0x85: {  	s0 =	sadd.s32 @!p0 $0x100000, s0;
	[bflag:$0x2] =	sbarrier.arrive $0xFFFF  }
0x86: {  	[sflag:s0] =	ssyncadd.tile.s32 @!p0 $0x1;
	_ =	shalt  }
.Lfunc_end2:
_tile_overlayer_lowered:
.L_overlay_start_2:
0x87: {  	(tag) =	ssettag $0x2  }
0x88: {  	s0 =	rddreg [dreg:$0x0];
	s2 =	stileid.u32  }
0x89: {  	s1 =	rddreg [dreg:$0x1];
	p0 =	sne.s32 s2, $0x0  }
0x8a: {  	s3 =	rddreg [dreg:$0x2];
	[bflag:$0x3] =	sbarrier.arrive $0xFFFF;
	s2 =	simm.s32 @!p0 $0x1C04  }
0x8b: {  	[timem:s3], [sflag:s2] =	dma.local @!p0 [hbm:s0], s1  }
0x8c: {  	s0 =	simm.s32 @!p0 $0x4  }
0x8d: {  	_ =	swait.ge @!p0 [sflag:s0], s1  }
0x8e: {  	s1 =	ssub.s32 @!p0 $0x0, s1;
	[sflag:s0] =	ssyncset.done @!p0 $0x0  }
0x8f: {  	[sflag:s0] =	ssyncadd.s32 @!p0 s1  }
0x90: {  	[bflag:$0x3] =	sbarrier.arrive $0xFFFF  }
0x91: {  	_ =	shalt  }

</sc_bundles>
